<compile_context>
chip_gen: v7x
topology: tpu7x:2x2x1
jax: 0.10.2.dev20260603
libtpu: 0.0.44.dev20260713+nightly
codegen_flags: <defaults>
</compile_context>

<pallas_src>
import functools

import jax
import jax.numpy as jnp
import numpy as np
from jax import lax
from jax.experimental import pallas as pl
from jax.experimental.pallas import tpu as pltpu
from jax.experimental.pallas import tpu_sc as plsc

N_NODES = 10000
N_EDGES = 320000
D_FEAT = 128
DH = D_FEAT // 2
NC = 2
NS = 16
CH = 128
EP = -(-N_EDGES // (NS * CH)) * (NS * CH)
NCHUNK = EP // (NS * CH)
ACC_R = 10240
ZR = ACC_R // NS
OR = N_NODES // NS
NBUF = 6
GAHEAD = 4
SLAG = 2


def _sc_body(x2_h, ei_h, zr_h, out_h, dst_v, src_v, rows_v, acc, gsem, ssem):
    cid = lax.axis_index("c")
    sid = lax.axis_index("s")

    pltpu.async_copy(zr_h, acc.at[pl.ds(sid * ZR, ZR)], gsem)
    pltpu.async_copy(ei_h.at[0, sid], dst_v, gsem)
    pltpu.async_copy(ei_h.at[1, sid], src_v, gsem)
    pltpu.make_async_copy(zr_h, acc.at[pl.ds(sid * ZR, ZR)], gsem).wait()
    pltpu.make_async_copy(ei_h.at[0, sid], dst_v, gsem).wait()
    pltpu.make_async_copy(ei_h.at[1, sid], src_v, gsem).wait()
    plsc.subcore_barrier()

    def remap(j):
        for k in range(CH // 16):
            s = src_v[j, pl.ds(k * 16, 16)]
            src_v[j, pl.ds(k * 16, 16)] = s + s + cid

    for k in range(GAHEAD):
        remap(k)
        pltpu.async_copy(x2_h.at[src_v.at[k]], rows_v.at[k], gsem)

    def chunk(j, carry):
        @pl.when(j < NCHUNK - GAHEAD)
        def _():
            remap(j + GAHEAD)

        b = lax.rem(j, NBUF)
        pltpu.make_async_copy(x2_h.at[src_v.at[j]], rows_v.at[b], gsem).wait()
        pltpu.async_copy(rows_v.at[b], acc.at[dst_v.at[j]], ssem, add=True)

        @pl.when(j >= SLAG)
        def _():
            pltpu.make_async_copy(rows_v.at[b], acc.at[dst_v.at[j]],
                                  ssem).wait()

        @pl.when(j < NCHUNK - GAHEAD)
        def _():
            pltpu.async_copy(x2_h.at[src_v.at[j + GAHEAD]],
                             rows_v.at[lax.rem(j + GAHEAD, NBUF)], gsem)

        return carry

    lax.fori_loop(0, NCHUNK, chunk, 0)
    for _ in range(SLAG):
        pltpu.make_async_copy(rows_v.at[0], acc.at[dst_v.at[0]], ssem).wait()
    plsc.subcore_barrier()

    pltpu.sync_copy(acc.at[pl.ds(sid * OR, OR)],
                    out_h.at[pl.ds(sid * OR, OR), pl.ds(cid * DH, DH)])


@functools.partial(
    pl.kernel,
    out_type=jax.ShapeDtypeStruct((N_NODES, D_FEAT), jnp.float32),
    mesh=plsc.VectorSubcoreMesh(core_axis_name="c", subcore_axis_name="s"),
    compiler_params=pltpu.CompilerParams(use_tc_tiling_on_sc=False),
    scratch_types=[
        pltpu.VMEM((NCHUNK, CH), jnp.int32),
        pltpu.VMEM((NCHUNK, CH), jnp.int32),
        pltpu.VMEM((NBUF, CH, DH), jnp.float32),
        pltpu.VMEM_SHARED((ACC_R, DH), jnp.float32),
        pltpu.SemaphoreType.DMA,
        pltpu.SemaphoreType.DMA,
    ],
)
def _mp_kernel(x2_h, ei_h, zr_h, out_h, dst_v, src_v, rows_v, acc,
               gsem, ssem):
    _sc_body(x2_h, ei_h, zr_h, out_h, dst_v, src_v, rows_v, acc, gsem, ssem)


def kernel(X, edge_index):
    npad = EP - N_EDGES
    pad_dst = N_NODES + np.arange(npad, dtype=np.int32) % (ACC_R - N_NODES)
    pad = np.stack([pad_dst, np.zeros((npad,), np.int32)])
    eip = jnp.concatenate([edge_index, jnp.asarray(pad)], axis=1)
    eip = eip.reshape(2, NS, NCHUNK, CH)
    x2 = X.reshape(NC * N_NODES, DH)
    zrows = jnp.zeros((ZR, DH), jnp.float32)
    return _mp_kernel(x2, eip, zrows)

# --- scband reference (transcript-rebuilt; emitter-appended) ---
"""Pipeline reference for scband-message-passing-12257836663109 (READ-ONLY COPY).

The authoritative reference and input builder live on the scoring server;
editing this copy changes nothing except your own understanding.
"""

import jax, jax.numpy as jnp
import numpy as np

N_NODES = 10000
N_EDGES = 320000
D_FEAT = 128


def setup_inputs(seed: int = 0) -> dict:
    key = jax.random.key(seed)
    k1, k2 = jax.random.split(key)
    X = jax.random.normal(k1, (N_NODES, D_FEAT), dtype=jnp.float32)
    edge_index = jax.random.randint(k2, (2, N_EDGES), 0, N_NODES, dtype=jnp.int32)
    return {"X": X, "edge_index": edge_index}


def reference(X, edge_index):
    # MessagePassing.propagate:
    #   index_i = A.indices[:, 0] (destination / aggregation index)
    #   index_j = A.indices[:, 1] (source / gather index)
    index_i = edge_index[0]
    index_j = edge_index[1]
    # message(x_j) = x_j  (identity message function)
    x_j = jnp.take(X, index_j, axis=0)
    # aggregate: scatter-sum of messages into destination nodes
    embeddings = jax.ops.segment_sum(x_j, index_i, num_segments=X.shape[0])
    # update(embeddings) = embeddings (identity update)
    return embeddings

if __name__ == "__main__":
    import jax
    _d = setup_inputs()
    print(jax.jit(kernel)(*tuple(_d.values())))

</pallas_src>

<mosaic_0001>
#map = affine_map<(d0, d1) -> (0, 0)>
#map1 = affine_map<(d0, d1) -> (0, 0, 0, 0)>
module attributes {stable_mosaic.version = 14 : i64} {
  func.func @_mp_kernel(%arg0: i32, %arg1: i32, %arg2: memref<20000x64xf32, #tpu.memory_space<hbm>>, %arg3: memref<2x16x157x128xi32, #tpu.memory_space<hbm>>, %arg4: memref<640x64xf32, #tpu.memory_space<hbm>>, %arg5: memref<10000x128xf32, #tpu.memory_space<hbm>>, %arg6: memref<157x128xi32, #tpu.memory_space<vmem>>, %arg7: memref<157x128xi32, #tpu.memory_space<vmem>>, %arg8: memref<6x128x64xf32, #tpu.memory_space<vmem>>, %arg9: memref<10240x64xf32, #tpu.memory_space<vmem_shared>>, %arg10: memref<!tpu.dma_semaphore, #tpu.memory_space<semaphore_mem>>, %arg11: memref<!tpu.dma_semaphore, #tpu.memory_space<semaphore_mem>>) attributes {dimension_semantics = [#tpu.dimension_semantics<core_parallel>, #tpu.dimension_semantics<subcore_parallel>], iteration_bounds = array<i64: 2, 16>, scalar_prefetch = 0 : i64, scratch_operands = 6 : i64, tpu.core_type = #tpu.core_type<sc_vector_subcore>, window_params = [{transform_indices = #map}, {transform_indices = #map1}, {transform_indices = #map}, {transform_indices = #map}]} {
    %mul3A = arith.constant 640 : i32
    %mul3A_0 = arith.muli %arg1, %mul3A : i32
    %dma_start3A = arith.constant 0 : i32
    %dma_start3A_1 = tpu.memref_slice %arg9[%mul3A_0, %dma_start3A] : memref<10240x64xf32, #tpu.memory_space<vmem_shared>> -> memref<640x64xf32, #tpu.memory_space<vmem_shared>>
    tpu.enqueue_dma source(%arg4 : memref<640x64xf32, #tpu.memory_space<hbm>>) target(%dma_start3A_1 : memref<640x64xf32, #tpu.memory_space<vmem_shared>>) target_semaphore(%arg10 : memref<!tpu.dma_semaphore, #tpu.memory_space<semaphore_mem>>)
    %dma_start3A_2 = arith.constant 0 : i32
    %dma_start3A_3 = arith.constant 0 : i32
    %dma_start3A_4 = arith.constant 0 : i32
    %dma_start3A_5 = tpu.memref_slice %arg3[%dma_start3A_2, %arg1, %dma_start3A_3, %dma_start3A_4] : memref<2x16x157x128xi32, #tpu.memory_space<hbm>> -> memref<1x1x157x128xi32, #tpu.memory_space<hbm>>
    %dma_start3A_6 = tpu.memref_squeeze %dma_start3A_5 : memref<1x1x157x128xi32, #tpu.memory_space<hbm>> -> memref<157x128xi32, #tpu.memory_space<hbm>>
    %dma_start3A_7 = arith.constant 0 : i32
    %dma_start3A_8 = arith.constant 0 : i32
    %dma_start3A_9 = tpu.memref_slice %arg3[%dma_start3A_2, %arg1, %dma_start3A_7, %dma_start3A_8] : memref<2x16x157x128xi32, #tpu.memory_space<hbm>> -> memref<1x1x157x128xi32, #tpu.memory_space<hbm>>
    %dma_start3A_10 = tpu.memref_squeeze %dma_start3A_9 : memref<1x1x157x128xi32, #tpu.memory_space<hbm>> -> memref<157x128xi32, #tpu.memory_space<hbm>>
    tpu.enqueue_dma source(%dma_start3A_10 : memref<157x128xi32, #tpu.memory_space<hbm>>) target(%arg6 : memref<157x128xi32, #tpu.memory_space<vmem>>) target_semaphore(%arg10 : memref<!tpu.dma_semaphore, #tpu.memory_space<semaphore_mem>>)
    %dma_start3A_11 = arith.constant 1 : i32
    %dma_start3A_12 = arith.constant 0 : i32
    %dma_start3A_13 = arith.constant 0 : i32
    %dma_start3A_14 = tpu.memref_slice %arg3[%dma_start3A_11, %arg1, %dma_start3A_12, %dma_start3A_13] : memref<2x16x157x128xi32, #tpu.memory_space<hbm>> -> memref<1x1x157x128xi32, #tpu.memory_space<hbm>>
    %dma_start3A_15 = tpu.memref_squeeze %dma_start3A_14 : memref<1x1x157x128xi32, #tpu.memory_space<hbm>> -> memref<157x128xi32, #tpu.memory_space<hbm>>
    %dma_start3A_16 = arith.constant 0 : i32
    %dma_start3A_17 = arith.constant 0 : i32
    %dma_start3A_18 = tpu.memref_slice %arg3[%dma_start3A_11, %arg1, %dma_start3A_16, %dma_start3A_17] : memref<2x16x157x128xi32, #tpu.memory_space<hbm>> -> memref<1x1x157x128xi32, #tpu.memory_space<hbm>>
    %dma_start3A_19 = tpu.memref_squeeze %dma_start3A_18 : memref<1x1x157x128xi32, #tpu.memory_space<hbm>> -> memref<157x128xi32, #tpu.memory_space<hbm>>
    tpu.enqueue_dma source(%dma_start3A_19 : memref<157x128xi32, #tpu.memory_space<hbm>>) target(%arg7 : memref<157x128xi32, #tpu.memory_space<vmem>>) target_semaphore(%arg10 : memref<!tpu.dma_semaphore, #tpu.memory_space<semaphore_mem>>)
    %mul3A_20 = arith.constant 640 : i32
    %mul3A_21 = arith.muli %arg1, %mul3A_20 : i32
    %dma_wait3A = arith.constant 0 : i32
    %dma_wait3A_22 = tpu.memref_slice %arg9[%mul3A_21, %dma_wait3A] : memref<10240x64xf32, #tpu.memory_space<vmem_shared>> -> memref<640x64xf32, #tpu.memory_space<vmem_shared>>
    tpu.wait_dma2 semaphore(%arg10 : memref<!tpu.dma_semaphore, #tpu.memory_space<semaphore_mem>>) src(%arg4 : memref<640x64xf32, #tpu.memory_space<hbm>>) dst(%dma_wait3A_22 : memref<640x64xf32, #tpu.memory_space<vmem_shared>>)
    %dma_wait3A_23 = arith.constant 0 : i32
    %dma_wait3A_24 = arith.constant 0 : i32
    %dma_wait3A_25 = arith.constant 0 : i32
    %dma_wait3A_26 = tpu.memref_slice %arg3[%dma_wait3A_23, %arg1, %dma_wait3A_24, %dma_wait3A_25] : memref<2x16x157x128xi32, #tpu.memory_space<hbm>> -> memref<1x1x157x128xi32, #tpu.memory_space<hbm>>
    %dma_wait3A_27 = tpu.memref_squeeze %dma_wait3A_26 : memref<1x1x157x128xi32, #tpu.memory_space<hbm>> -> memref<157x128xi32, #tpu.memory_space<hbm>>
    %dma_wait3A_28 = arith.constant 0 : i32
    %dma_wait3A_29 = arith.constant 0 : i32
    %dma_wait3A_30 = tpu.memref_slice %arg3[%dma_wait3A_23, %arg1, %dma_wait3A_28, %dma_wait3A_29] : memref<2x16x157x128xi32, #tpu.memory_space<hbm>> -> memref<1x1x157x128xi32, #tpu.memory_space<hbm>>
    %dma_wait3A_31 = tpu.memref_squeeze %dma_wait3A_30 : memref<1x1x157x128xi32, #tpu.memory_space<hbm>> -> memref<157x128xi32, #tpu.memory_space<hbm>>
    tpu.wait_dma2 semaphore(%arg10 : memref<!tpu.dma_semaphore, #tpu.memory_space<semaphore_mem>>) src(%dma_wait3A_31 : memref<157x128xi32, #tpu.memory_space<hbm>>) dst(%arg6 : memref<157x128xi32, #tpu.memory_space<vmem>>)
    %dma_wait3A_32 = arith.constant 1 : i32
    %dma_wait3A_33 = arith.constant 0 : i32
    %dma_wait3A_34 = arith.constant 0 : i32
    %dma_wait3A_35 = tpu.memref_slice %arg3[%dma_wait3A_32, %arg1, %dma_wait3A_33, %dma_wait3A_34] : memref<2x16x157x128xi32, #tpu.memory_space<hbm>> -> memref<1x1x157x128xi32, #tpu.memory_space<hbm>>
    %dma_wait3A_36 = tpu.memref_squeeze %dma_wait3A_35 : memref<1x1x157x128xi32, #tpu.memory_space<hbm>> -> memref<157x128xi32, #tpu.memory_space<hbm>>
    %dma_wait3A_37 = arith.constant 0 : i32
    %dma_wait3A_38 = arith.constant 0 : i32
    %dma_wait3A_39 = tpu.memref_slice %arg3[%dma_wait3A_32, %arg1, %dma_wait3A_37, %dma_wait3A_38] : memref<2x16x157x128xi32, #tpu.memory_space<hbm>> -> memref<1x1x157x128xi32, #tpu.memory_space<hbm>>
    %dma_wait3A_40 = tpu.memref_squeeze %dma_wait3A_39 : memref<1x1x157x128xi32, #tpu.memory_space<hbm>> -> memref<157x128xi32, #tpu.memory_space<hbm>>
    tpu.wait_dma2 semaphore(%arg10 : memref<!tpu.dma_semaphore, #tpu.memory_space<semaphore_mem>>) src(%dma_wait3A_40 : memref<157x128xi32, #tpu.memory_space<hbm>>) dst(%arg7 : memref<157x128xi32, #tpu.memory_space<vmem>>)
    %barrier3A = arith.constant 0 : index
    tpu.barrier barrier_id(%barrier3A)
    %get3A = arith.constant 0 : i32
    %get3A_41 = arith.index_cast %get3A : i32 to index
    %get3A_42 = arith.constant 0 : index
    %get3A_43 = tpu.vector_load %arg7[%get3A_41, %get3A_42] {strides = array<i32>} : memref<157x128xi32, #tpu.memory_space<vmem>>, vector<1x16xi32>,
    %get3A_44 = vector.shape_cast %get3A_43 : vector<1x16xi32> to vector<16xi32>
    %add3A = arith.addi %get3A_44, %get3A_44 : vector<16xi32>
    %add3A_45 = vector.broadcast %arg0 : i32 to vector<16xi32>
    %add3A_46 = arith.addi %add3A, %add3A_45 : vector<16xi32>
    %swap3A = arith.constant 0 : i32
    %swap3A_47 = arith.index_cast %swap3A : i32 to index
    %swap3A_48 = arith.constant 0 : index
    %swap3A_49 = tpu.vector_load %arg7[%swap3A_47, %swap3A_48] {strides = array<i32>} : memref<157x128xi32, #tpu.memory_space<vmem>>, vector<1x16xi32>,
    %swap3A_50 = vector.shape_cast %swap3A_49 : vector<1x16xi32> to vector<16xi32>
    %swap3A_51 = vector.shape_cast %add3A_46 : vector<16xi32> to vector<1x16xi32>
    tpu.vector_store %arg7[%swap3A_47, %swap3A_48], %swap3A_51 {strides = array<i32>} : memref<157x128xi32, #tpu.memory_space<vmem>>, vector<1x16xi32>,
    %get3A_52 = arith.constant 0 : i32
    %get3A_53 = arith.index_cast %get3A_52 : i32 to index
    %get3A_54 = arith.constant 16 : index
    %get3A_55 = tpu.vector_load %arg7[%get3A_53, %get3A_54] {strides = array<i32>} : memref<157x128xi32, #tpu.memory_space<vmem>>, vector<1x16xi32>,
    %get3A_56 = vector.shape_cast %get3A_55 : vector<1x16xi32> to vector<16xi32>
    %add3A_57 = arith.addi %get3A_56, %get3A_56 : vector<16xi32>
    %add3A_58 = vector.broadcast %arg0 : i32 to vector<16xi32>
    %add3A_59 = arith.addi %add3A_57, %add3A_58 : vector<16xi32>
    %swap3A_60 = arith.constant 0 : i32
    %swap3A_61 = arith.index_cast %swap3A_60 : i32 to index
    %swap3A_62 = arith.constant 16 : index
    %swap3A_63 = tpu.vector_load %arg7[%swap3A_61, %swap3A_62] {strides = array<i32>} : memref<157x128xi32, #tpu.memory_space<vmem>>, vector<1x16xi32>,
    %swap3A_64 = vector.shape_cast %swap3A_63 : vector<1x16xi32> to vector<16xi32>
    %swap3A_65 = vector.shape_cast %add3A_59 : vector<16xi32> to vector<1x16xi32>
    tpu.vector_store %arg7[%swap3A_61, %swap3A_62], %swap3A_65 {strides = array<i32>} : memref<157x128xi32, #tpu.memory_space<vmem>>, vector<1x16xi32>,
    %get3A_66 = arith.constant 0 : i32
    %get3A_67 = arith.index_cast %get3A_66 : i32 to index
    %get3A_68 = arith.constant 32 : index
    %get3A_69 = tpu.vector_load %arg7[%get3A_67, %get3A_68] {strides = array<i32>} : memref<157x128xi32, #tpu.memory_space<vmem>>, vector<1x16xi32>,
    %get3A_70 = vector.shape_cast %get3A_69 : vector<1x16xi32> to vector<16xi32>
    %add3A_71 = arith.addi %get3A_70, %get3A_70 : vector<16xi32>
    %add3A_72 = vector.broadcast %arg0 : i32 to vector<16xi32>
    %add3A_73 = arith.addi %add3A_71, %add3A_72 : vector<16xi32>
    %swap3A_74 = arith.constant 0 : i32
    %swap3A_75 = arith.index_cast %swap3A_74 : i32 to index
    %swap3A_76 = arith.constant 32 : index
    %swap3A_77 = tpu.vector_load %arg7[%swap3A_75, %swap3A_76] {strides = array<i32>} : memref<157x128xi32, #tpu.memory_space<vmem>>, vector<1x16xi32>,
    %swap3A_78 = vector.shape_cast %swap3A_77 : vector<1x16xi32> to vector<16xi32>
    %swap3A_79 = vector.shape_cast %add3A_73 : vector<16xi32> to vector<1x16xi32>
    tpu.vector_store %arg7[%swap3A_75, %swap3A_76], %swap3A_79 {strides = array<i32>} : memref<157x128xi32, #tpu.memory_space<vmem>>, vector<1x16xi32>,
    %get3A_80 = arith.constant 0 : i32
    %get3A_81 = arith.index_cast %get3A_80 : i32 to index
    %get3A_82 = arith.constant 48 : index
    %get3A_83 = tpu.vector_load %arg7[%get3A_81, %get3A_82] {strides = array<i32>} : memref<157x128xi32, #tpu.memory_space<vmem>>, vector<1x16xi32>,
    %get3A_84 = vector.shape_cast %get3A_83 : vector<1x16xi32> to vector<16xi32>
    %add3A_85 = arith.addi %get3A_84, %get3A_84 : vector<16xi32>
    %add3A_86 = vector.broadcast %arg0 : i32 to vector<16xi32>
    %add3A_87 = arith.addi %add3A_85, %add3A_86 : vector<16xi32>
    %swap3A_88 = arith.constant 0 : i32
    %swap3A_89 = arith.index_cast %swap3A_88 : i32 to index
    %swap3A_90 = arith.constant 48 : index
    %swap3A_91 = tpu.vector_load %arg7[%swap3A_89, %swap3A_90] {strides = array<i32>} : memref<157x128xi32, #tpu.memory_space<vmem>>, vector<1x16xi32>,
    %swap3A_92 = vector.shape_cast %swap3A_91 : vector<1x16xi32> to vector<16xi32>
    %swap3A_93 = vector.shape_cast %add3A_87 : vector<16xi32> to vector<1x16xi32>
    tpu.vector_store %arg7[%swap3A_89, %swap3A_90], %swap3A_93 {strides = array<i32>} : memref<157x128xi32, #tpu.memory_space<vmem>>, vector<1x16xi32>,
    %get3A_94 = arith.constant 0 : i32
    %get3A_95 = arith.index_cast %get3A_94 : i32 to index
    %get3A_96 = arith.constant 64 : index
    %get3A_97 = tpu.vector_load %arg7[%get3A_95, %get3A_96] {strides = array<i32>} : memref<157x128xi32, #tpu.memory_space<vmem>>, vector<1x16xi32>,
    %get3A_98 = vector.shape_cast %get3A_97 : vector<1x16xi32> to vector<16xi32>
    %add3A_99 = arith.addi %get3A_98, %get3A_98 : vector<16xi32>
    %add3A_100 = vector.broadcast %arg0 : i32 to vector<16xi32>
    %add3A_101 = arith.addi %add3A_99, %add3A_100 : vector<16xi32>
    %swap3A_102 = arith.constant 0 : i32
    %swap3A_103 = arith.index_cast %swap3A_102 : i32 to index
    %swap3A_104 = arith.constant 64 : index
    %swap3A_105 = tpu.vector_load %arg7[%swap3A_103, %swap3A_104] {strides = array<i32>} : memref<157x128xi32, #tpu.memory_space<vmem>>, vector<1x16xi32>,
    %swap3A_106 = vector.shape_cast %swap3A_105 : vector<1x16xi32> to vector<16xi32>
    %swap3A_107 = vector.shape_cast %add3A_101 : vector<16xi32> to vector<1x16xi32>
    tpu.vector_store %arg7[%swap3A_103, %swap3A_104], %swap3A_107 {strides = array<i32>} : memref<157x128xi32, #tpu.memory_space<vmem>>, vector<1x16xi32>,
    %get3A_108 = arith.constant 0 : i32
    %get3A_109 = arith.index_cast %get3A_108 : i32 to index
    %get3A_110 = arith.constant 80 : index
    %get3A_111 = tpu.vector_load %arg7[%get3A_109, %get3A_110] {strides = array<i32>} : memref<157x128xi32, #tpu.memory_space<vmem>>, vector<1x16xi32>,
    %get3A_112 = vector.shape_cast %get3A_111 : vector<1x16xi32> to vector<16xi32>
    %add3A_113 = arith.addi %get3A_112, %get3A_112 : vector<16xi32>
    %add3A_114 = vector.broadcast %arg0 : i32 to vector<16xi32>
    %add3A_115 = arith.addi %add3A_113, %add3A_114 : vector<16xi32>
    %swap3A_116 = arith.constant 0 : i32
    %swap3A_117 = arith.index_cast %swap3A_116 : i32 to index
    %swap3A_118 = arith.constant 80 : index
    %swap3A_119 = tpu.vector_load %arg7[%swap3A_117, %swap3A_118] {strides = array<i32>} : memref<157x128xi32, #tpu.memory_space<vmem>>, vector<1x16xi32>,
    %swap3A_120 = vector.shape_cast %swap3A_119 : vector<1x16xi32> to vector<16xi32>
    %swap3A_121 = vector.shape_cast %add3A_115 : vector<16xi32> to vector<1x16xi32>
    tpu.vector_store %arg7[%swap3A_117, %swap3A_118], %swap3A_121 {strides = array<i32>} : memref<157x128xi32, #tpu.memory_space<vmem>>, vector<1x16xi32>,
    %get3A_122 = arith.constant 0 : i32
    %get3A_123 = arith.index_cast %get3A_122 : i32 to index
    %get3A_124 = arith.constant 96 : index
    %get3A_125 = tpu.vector_load %arg7[%get3A_123, %get3A_124] {strides = array<i32>} : memref<157x128xi32, #tpu.memory_space<vmem>>, vector<1x16xi32>,
    %get3A_126 = vector.shape_cast %get3A_125 : vector<1x16xi32> to vector<16xi32>
    %add3A_127 = arith.addi %get3A_126, %get3A_126 : vector<16xi32>
    %add3A_128 = vector.broadcast %arg0 : i32 to vector<16xi32>
    %add3A_129 = arith.addi %add3A_127, %add3A_128 : vector<16xi32>
    %swap3A_130 = arith.constant 0 : i32
    %swap3A_131 = arith.index_cast %swap3A_130 : i32 to index
    %swap3A_132 = arith.constant 96 : index
    %swap3A_133 = tpu.vector_load %arg7[%swap3A_131, %swap3A_132] {strides = array<i32>} : memref<157x128xi32, #tpu.memory_space<vmem>>, vector<1x16xi32>,
    %swap3A_134 = vector.shape_cast %swap3A_133 : vector<1x16xi32> to vector<16xi32>
    %swap3A_135 = vector.shape_cast %add3A_129 : vector<16xi32> to vector<1x16xi32>
    tpu.vector_store %arg7[%swap3A_131, %swap3A_132], %swap3A_135 {strides = array<i32>} : memref<157x128xi32, #tpu.memory_space<vmem>>, vector<1x16xi32>,
    %get3A_136 = arith.constant 0 : i32
    %get3A_137 = arith.index_cast %get3A_136 : i32 to index
    %get3A_138 = arith.constant 112 : index
    %get3A_139 = tpu.vector_load %arg7[%get3A_137, %get3A_138] {strides = array<i32>} : memref<157x128xi32, #tpu.memory_space<vmem>>, vector<1x16xi32>,
    %get3A_140 = vector.shape_cast %get3A_139 : vector<1x16xi32> to vector<16xi32>
    %add3A_141 = arith.addi %get3A_140, %get3A_140 : vector<16xi32>
    %add3A_142 = vector.broadcast %arg0 : i32 to vector<16xi32>
    %add3A_143 = arith.addi %add3A_141, %add3A_142 : vector<16xi32>
    %swap3A_144 = arith.constant 0 : i32
    %swap3A_145 = arith.index_cast %swap3A_144 : i32 to index
    %swap3A_146 = arith.constant 112 : index
    %swap3A_147 = tpu.vector_load %arg7[%swap3A_145, %swap3A_146] {strides = array<i32>} : memref<157x128xi32, #tpu.memory_space<vmem>>, vector<1x16xi32>,
    %swap3A_148 = vector.shape_cast %swap3A_147 : vector<1x16xi32> to vector<16xi32>
    %swap3A_149 = vector.shape_cast %add3A_143 : vector<16xi32> to vector<1x16xi32>
    tpu.vector_store %arg7[%swap3A_145, %swap3A_146], %swap3A_149 {strides = array<i32>} : memref<157x128xi32, #tpu.memory_space<vmem>>, vector<1x16xi32>,
    %dma_start3A_150 = arith.constant 0 : i32
    %dma_start3A_151 = arith.constant 0 : i32
    %dma_start3A_152 = arith.constant 0 : i32
    %dma_start3A_153 = arith.constant 0 : i32
    %dma_start3A_154 = tpu.memref_slice %arg8[%dma_start3A_151, %dma_start3A_152, %dma_start3A_153] : memref<6x128x64xf32, #tpu.memory_space<vmem>> -> memref<1x128x64xf32, #tpu.memory_space<vmem>>
    %dma_start3A_155 = tpu.memref_squeeze %dma_start3A_154 : memref<1x128x64xf32, #tpu.memory_space<vmem>> -> memref<128x64xf32, #tpu.memory_space<vmem>>
    %dma_start3A_156 = arith.constant 0 : i32
    %dma_start3A_157 = tpu.memref_slice %arg7[%dma_start3A_150, %dma_start3A_156] : memref<157x128xi32, #tpu.memory_space<vmem>> -> memref<1x128xi32, #tpu.memory_space<vmem>>
    %dma_start3A_158 = tpu.memref_squeeze %dma_start3A_157 : memref<1x128xi32, #tpu.memory_space<vmem>> -> memref<128xi32, #tpu.memory_space<vmem>>
    %dma_start3A_159 = arith.constant 0 : i32
    %dma_start3A_160 = arith.constant 0 : i32
    %dma_start3A_161 = tpu.memref_slice %arg2[%dma_start3A_159, %dma_start3A_160] : memref<20000x64xf32, #tpu.memory_space<hbm>> -> memref<20000x64xf32, #tpu.memory_space<hbm>>
    tpu.enqueue_indirect_dma source(%dma_start3A_161 : memref<20000x64xf32, #tpu.memory_space<hbm>>) target(%dma_start3A_155 : memref<128x64xf32, #tpu.memory_space<vmem>>) offsets(%dma_start3A_158 : memref<128xi32, #tpu.memory_space<vmem>>) semaphore(%arg10 : memref<!tpu.dma_semaphore, #tpu.memory_space<semaphore_mem>>)
    %get3A_162 = arith.constant 1 : i32
    %get3A_163 = arith.index_cast %get3A_162 : i32 to index
    %get3A_164 = arith.constant 0 : index
    %get3A_165 = tpu.vector_load %arg7[%get3A_163, %get3A_164] {strides = array<i32>} : memref<157x128xi32, #tpu.memory_space<vmem>>, vector<1x16xi32>,
    %get3A_166 = vector.shape_cast %get3A_165 : vector<1x16xi32> to vector<16xi32>
    %add3A_167 = arith.addi %get3A_166, %get3A_166 : vector<16xi32>
    %add3A_168 = vector.broadcast %arg0 : i32 to vector<16xi32>
    %add3A_169 = arith.addi %add3A_167, %add3A_168 : vector<16xi32>
    %swap3A_170 = arith.constant 1 : i32
    %swap3A_171 = arith.index_cast %swap3A_170 : i32 to index
    %swap3A_172 = arith.constant 0 : index
    %swap3A_173 = tpu.vector_load %arg7[%swap3A_171, %swap3A_172] {strides = array<i32>} : memref<157x128xi32, #tpu.memory_space<vmem>>, vector<1x16xi32>,
    %swap3A_174 = vector.shape_cast %swap3A_173 : vector<1x16xi32> to vector<16xi32>
    %swap3A_175 = vector.shape_cast %add3A_169 : vector<16xi32> to vector<1x16xi32>
    tpu.vector_store %arg7[%swap3A_171, %swap3A_172], %swap3A_175 {strides = array<i32>} : memref<157x128xi32, #tpu.memory_space<vmem>>, vector<1x16xi32>,
    %get3A_176 = arith.constant 1 : i32
    %get3A_177 = arith.index_cast %get3A_176 : i32 to index
    %get3A_178 = arith.constant 16 : index
    %get3A_179 = tpu.vector_load %arg7[%get3A_177, %get3A_178] {strides = array<i32>} : memref<157x128xi32, #tpu.memory_space<vmem>>, vector<1x16xi32>,
    %get3A_180 = vector.shape_cast %get3A_179 : vector<1x16xi32> to vector<16xi32>
    %add3A_181 = arith.addi %get3A_180, %get3A_180 : vector<16xi32>
    %add3A_182 = vector.broadcast %arg0 : i32 to vector<16xi32>
    %add3A_183 = arith.addi %add3A_181, %add3A_182 : vector<16xi32>
    %swap3A_184 = arith.constant 1 : i32
    %swap3A_185 = arith.index_cast %swap3A_184 : i32 to index
    %swap3A_186 = arith.constant 16 : index
    %swap3A_187 = tpu.vector_load %arg7[%swap3A_185, %swap3A_186] {strides = array<i32>} : memref<157x128xi32, #tpu.memory_space<vmem>>, vector<1x16xi32>,
    %swap3A_188 = vector.shape_cast %swap3A_187 : vector<1x16xi32> to vector<16xi32>
    %swap3A_189 = vector.shape_cast %add3A_183 : vector<16xi32> to vector<1x16xi32>
    tpu.vector_store %arg7[%swap3A_185, %swap3A_186], %swap3A_189 {strides = array<i32>} : memref<157x128xi32, #tpu.memory_space<vmem>>, vector<1x16xi32>,
    %get3A_190 = arith.constant 1 : i32
    %get3A_191 = arith.index_cast %get3A_190 : i32 to index
    %get3A_192 = arith.constant 32 : index
    %get3A_193 = tpu.vector_load %arg7[%get3A_191, %get3A_192] {strides = array<i32>} : memref<157x128xi32, #tpu.memory_space<vmem>>, vector<1x16xi32>,
    %get3A_194 = vector.shape_cast %get3A_193 : vector<1x16xi32> to vector<16xi32>
    %add3A_195 = arith.addi %get3A_194, %get3A_194 : vector<16xi32>
    %add3A_196 = vector.broadcast %arg0 : i32 to vector<16xi32>
    %add3A_197 = arith.addi %add3A_195, %add3A_196 : vector<16xi32>
    %swap3A_198 = arith.constant 1 : i32
    %swap3A_199 = arith.index_cast %swap3A_198 : i32 to index
    %swap3A_200 = arith.constant 32 : index
    %swap3A_201 = tpu.vector_load %arg7[%swap3A_199, %swap3A_200] {strides = array<i32>} : memref<157x128xi32, #tpu.memory_space<vmem>>, vector<1x16xi32>,
    %swap3A_202 = vector.shape_cast %swap3A_201 : vector<1x16xi32> to vector<16xi32>
    %swap3A_203 = vector.shape_cast %add3A_197 : vector<16xi32> to vector<1x16xi32>
    tpu.vector_store %arg7[%swap3A_199, %swap3A_200], %swap3A_203 {strides = array<i32>} : memref<157x128xi32, #tpu.memory_space<vmem>>, vector<1x16xi32>,
    %get3A_204 = arith.constant 1 : i32
    %get3A_205 = arith.index_cast %get3A_204 : i32 to index
    %get3A_206 = arith.constant 48 : index
    %get3A_207 = tpu.vector_load %arg7[%get3A_205, %get3A_206] {strides = array<i32>} : memref<157x128xi32, #tpu.memory_space<vmem>>, vector<1x16xi32>,
    %get3A_208 = vector.shape_cast %get3A_207 : vector<1x16xi32> to vector<16xi32>
    %add3A_209 = arith.addi %get3A_208, %get3A_208 : vector<16xi32>
    %add3A_210 = vector.broadcast %arg0 : i32 to vector<16xi32>
    %add3A_211 = arith.addi %add3A_209, %add3A_210 : vector<16xi32>
    %swap3A_212 = arith.constant 1 : i32
    %swap3A_213 = arith.index_cast %swap3A_212 : i32 to index
    %swap3A_214 = arith.constant 48 : index
    %swap3A_215 = tpu.vector_load %arg7[%swap3A_213, %swap3A_214] {strides = array<i32>} : memref<157x128xi32, #tpu.memory_space<vmem>>, vector<1x16xi32>,
    %swap3A_216 = vector.shape_cast %swap3A_215 : vector<1x16xi32> to vector<16xi32>
    %swap3A_217 = vector.shape_cast %add3A_211 : vector<16xi32> to vector<1x16xi32>
    tpu.vector_store %arg7[%swap3A_213, %swap3A_214], %swap3A_217 {strides = array<i32>} : memref<157x128xi32, #tpu.memory_space<vmem>>, vector<1x16xi32>,
    %get3A_218 = arith.constant 1 : i32
    %get3A_219 = arith.index_cast %get3A_218 : i32 to index
    %get3A_220 = arith.constant 64 : index
    %get3A_221 = tpu.vector_load %arg7[%get3A_219, %get3A_220] {strides = array<i32>} : memref<157x128xi32, #tpu.memory_space<vmem>>, vector<1x16xi32>,
    %get3A_222 = vector.shape_cast %get3A_221 : vector<1x16xi32> to vector<16xi32>
    %add3A_223 = arith.addi %get3A_222, %get3A_222 : vector<16xi32>
    %add3A_224 = vector.broadcast %arg0 : i32 to vector<16xi32>
    %add3A_225 = arith.addi %add3A_223, %add3A_224 : vector<16xi32>
    %swap3A_226 = arith.constant 1 : i32
    %swap3A_227 = arith.index_cast %swap3A_226 : i32 to index
    %swap3A_228 = arith.constant 64 : index
    %swap3A_229 = tpu.vector_load %arg7[%swap3A_227, %swap3A_228] {strides = array<i32>} : memref<157x128xi32, #tpu.memory_space<vmem>>, vector<1x16xi32>,
    %swap3A_230 = vector.shape_cast %swap3A_229 : vector<1x16xi32> to vector<16xi32>
    %swap3A_231 = vector.shape_cast %add3A_225 : vector<16xi32> to vector<1x16xi32>
    tpu.vector_store %arg7[%swap3A_227, %swap3A_228], %swap3A_231 {strides = array<i32>} : memref<157x128xi32, #tpu.memory_space<vmem>>, vector<1x16xi32>,
    %get3A_232 = arith.constant 1 : i32
    %get3A_233 = arith.index_cast %get3A_232 : i32 to index
    %get3A_234 = arith.constant 80 : index
    %get3A_235 = tpu.vector_load %arg7[%get3A_233, %get3A_234] {strides = array<i32>} : memref<157x128xi32, #tpu.memory_space<vmem>>, vector<1x16xi32>,
    %get3A_236 = vector.shape_cast %get3A_235 : vector<1x16xi32> to vector<16xi32>
    %add3A_237 = arith.addi %get3A_236, %get3A_236 : vector<16xi32>
    %add3A_238 = vector.broadcast %arg0 : i32 to vector<16xi32>
    %add3A_239 = arith.addi %add3A_237, %add3A_238 : vector<16xi32>
    %swap3A_240 = arith.constant 1 : i32
    %swap3A_241 = arith.index_cast %swap3A_240 : i32 to index
    %swap3A_242 = arith.constant 80 : index
    %swap3A_243 = tpu.vector_load %arg7[%swap3A_241, %swap3A_242] {strides = array<i32>} : memref<157x128xi32, #tpu.memory_space<vmem>>, vector<1x16xi32>,
    %swap3A_244 = vector.shape_cast %swap3A_243 : vector<1x16xi32> to vector<16xi32>
    %swap3A_245 = vector.shape_cast %add3A_239 : vector<16xi32> to vector<1x16xi32>
    tpu.vector_store %arg7[%swap3A_241, %swap3A_242], %swap3A_245 {strides = array<i32>} : memref<157x128xi32, #tpu.memory_space<vmem>>, vector<1x16xi32>,
    %get3A_246 = arith.constant 1 : i32
    %get3A_247 = arith.index_cast %get3A_246 : i32 to index
    %get3A_248 = arith.constant 96 : index
    %get3A_249 = tpu.vector_load %arg7[%get3A_247, %get3A_248] {strides = array<i32>} : memref<157x128xi32, #tpu.memory_space<vmem>>, vector<1x16xi32>,
    %get3A_250 = vector.shape_cast %get3A_249 : vector<1x16xi32> to vector<16xi32>
    %add3A_251 = arith.addi %get3A_250, %get3A_250 : vector<16xi32>
    %add3A_252 = vector.broadcast %arg0 : i32 to vector<16xi32>
    %add3A_253 = arith.addi %add3A_251, %add3A_252 : vector<16xi32>
    %swap3A_254 = arith.constant 1 : i32
    %swap3A_255 = arith.index_cast %swap3A_254 : i32 to index
    %swap3A_256 = arith.constant 96 : index
    %swap3A_257 = tpu.vector_load %arg7[%swap3A_255, %swap3A_256] {strides = array<i32>} : memref<157x128xi32, #tpu.memory_space<vmem>>, vector<1x16xi32>,
    %swap3A_258 = vector.shape_cast %swap3A_257 : vector<1x16xi32> to vector<16xi32>
    %swap3A_259 = vector.shape_cast %add3A_253 : vector<16xi32> to vector<1x16xi32>
    tpu.vector_store %arg7[%swap3A_255, %swap3A_256], %swap3A_259 {strides = array<i32>} : memref<157x128xi32, #tpu.memory_space<vmem>>, vector<1x16xi32>,
    %get3A_260 = arith.constant 1 : i32
    %get3A_261 = arith.index_cast %get3A_260 : i32 to index
    %get3A_262 = arith.constant 112 : index
    %get3A_263 = tpu.vector_load %arg7[%get3A_261, %get3A_262] {strides = array<i32>} : memref<157x128xi32, #tpu.memory_space<vmem>>, vector<1x16xi32>,
    %get3A_264 = vector.shape_cast %get3A_263 : vector<1x16xi32> to vector<16xi32>
    %add3A_265 = arith.addi %get3A_264, %get3A_264 : vector<16xi32>
    %add3A_266 = vector.broadcast %arg0 : i32 to vector<16xi32>
    %add3A_267 = arith.addi %add3A_265, %add3A_266 : vector<16xi32>
    %swap3A_268 = arith.constant 1 : i32
    %swap3A_269 = arith.index_cast %swap3A_268 : i32 to index
    %swap3A_270 = arith.constant 112 : index
    %swap3A_271 = tpu.vector_load %arg7[%swap3A_269, %swap3A_270] {strides = array<i32>} : memref<157x128xi32, #tpu.memory_space<vmem>>, vector<1x16xi32>,
    %swap3A_272 = vector.shape_cast %swap3A_271 : vector<1x16xi32> to vector<16xi32>
    %swap3A_273 = vector.shape_cast %add3A_267 : vector<16xi32> to vector<1x16xi32>
    tpu.vector_store %arg7[%swap3A_269, %swap3A_270], %swap3A_273 {strides = array<i32>} : memref<157x128xi32, #tpu.memory_space<vmem>>, vector<1x16xi32>,
    %dma_start3A_274 = arith.constant 1 : i32
    %dma_start3A_275 = arith.constant 1 : i32
    %dma_start3A_276 = arith.constant 0 : i32
    %dma_start3A_277 = arith.constant 0 : i32
    %dma_start3A_278 = tpu.memref_slice %arg8[%dma_start3A_275, %dma_start3A_276, %dma_start3A_277] : memref<6x128x64xf32, #tpu.memory_space<vmem>> -> memref<1x128x64xf32, #tpu.memory_space<vmem>>
    %dma_start3A_279 = tpu.memref_squeeze %dma_start3A_278 : memref<1x128x64xf32, #tpu.memory_space<vmem>> -> memref<128x64xf32, #tpu.memory_space<vmem>>
    %dma_start3A_280 = arith.constant 0 : i32
    %dma_start3A_281 = tpu.memref_slice %arg7[%dma_start3A_274, %dma_start3A_280] : memref<157x128xi32, #tpu.memory_space<vmem>> -> memref<1x128xi32, #tpu.memory_space<vmem>>
    %dma_start3A_282 = tpu.memref_squeeze %dma_start3A_281 : memref<1x128xi32, #tpu.memory_space<vmem>> -> memref<128xi32, #tpu.memory_space<vmem>>
    %dma_start3A_283 = arith.constant 0 : i32
    %dma_start3A_284 = arith.constant 0 : i32
    %dma_start3A_285 = tpu.memref_slice %arg2[%dma_start3A_283, %dma_start3A_284] : memref<20000x64xf32, #tpu.memory_space<hbm>> -> memref<20000x64xf32, #tpu.memory_space<hbm>>
    tpu.enqueue_indirect_dma source(%dma_start3A_285 : memref<20000x64xf32, #tpu.memory_space<hbm>>) target(%dma_start3A_279 : memref<128x64xf32, #tpu.memory_space<vmem>>) offsets(%dma_start3A_282 : memref<128xi32, #tpu.memory_space<vmem>>) semaphore(%arg10 : memref<!tpu.dma_semaphore, #tpu.memory_space<semaphore_mem>>)
    %get3A_286 = arith.constant 2 : i32
    %get3A_287 = arith.index_cast %get3A_286 : i32 to index
    %get3A_288 = arith.constant 0 : index
    %get3A_289 = tpu.vector_load %arg7[%get3A_287, %get3A_288] {strides = array<i32>} : memref<157x128xi32, #tpu.memory_space<vmem>>, vector<1x16xi32>,
    %get3A_290 = vector.shape_cast %get3A_289 : vector<1x16xi32> to vector<16xi32>
    %add3A_291 = arith.addi %get3A_290, %get3A_290 : vector<16xi32>
    %add3A_292 = vector.broadcast %arg0 : i32 to vector<16xi32>
    %add3A_293 = arith.addi %add3A_291, %add3A_292 : vector<16xi32>
    %swap3A_294 = arith.constant 2 : i32
    %swap3A_295 = arith.index_cast %swap3A_294 : i32 to index
    %swap3A_296 = arith.constant 0 : index
    %swap3A_297 = tpu.vector_load %arg7[%swap3A_295, %swap3A_296] {strides = array<i32>} : memref<157x128xi32, #tpu.memory_space<vmem>>, vector<1x16xi32>,
    %swap3A_298 = vector.shape_cast %swap3A_297 : vector<1x16xi32> to vector<16xi32>
    %swap3A_299 = vector.shape_cast %add3A_293 : vector<16xi32> to vector<1x16xi32>
    tpu.vector_store %arg7[%swap3A_295, %swap3A_296], %swap3A_299 {strides = array<i32>} : memref<157x128xi32, #tpu.memory_space<vmem>>, vector<1x16xi32>,
    %get3A_300 = arith.constant 2 : i32
    %get3A_301 = arith.index_cast %get3A_300 : i32 to index
    %get3A_302 = arith.constant 16 : index
    %get3A_303 = tpu.vector_load %arg7[%get3A_301, %get3A_302] {strides = array<i32>} : memref<157x128xi32, #tpu.memory_space<vmem>>, vector<1x16xi32>,
    %get3A_304 = vector.shape_cast %get3A_303 : vector<1x16xi32> to vector<16xi32>
    %add3A_305 = arith.addi %get3A_304, %get3A_304 : vector<16xi32>
    %add3A_306 = vector.broadcast %arg0 : i32 to vector<16xi32>
    %add3A_307 = arith.addi %add3A_305, %add3A_306 : vector<16xi32>
    %swap3A_308 = arith.constant 2 : i32
    %swap3A_309 = arith.index_cast %swap3A_308 : i32 to index
    %swap3A_310 = arith.constant 16 : index
    %swap3A_311 = tpu.vector_load %arg7[%swap3A_309, %swap3A_310] {strides = array<i32>} : memref<157x128xi32, #tpu.memory_space<vmem>>, vector<1x16xi32>,
    %swap3A_312 = vector.shape_cast %swap3A_311 : vector<1x16xi32> to vector<16xi32>
    %swap3A_313 = vector.shape_cast %add3A_307 : vector<16xi32> to vector<1x16xi32>
    tpu.vector_store %arg7[%swap3A_309, %swap3A_310], %swap3A_313 {strides = array<i32>} : memref<157x128xi32, #tpu.memory_space<vmem>>, vector<1x16xi32>,
    %get3A_314 = arith.constant 2 : i32
    %get3A_315 = arith.index_cast %get3A_314 : i32 to index
    %get3A_316 = arith.constant 32 : index
    %get3A_317 = tpu.vector_load %arg7[%get3A_315, %get3A_316] {strides = array<i32>} : memref<157x128xi32, #tpu.memory_space<vmem>>, vector<1x16xi32>,
    %get3A_318 = vector.shape_cast %get3A_317 : vector<1x16xi32> to vector<16xi32>
    %add3A_319 = arith.addi %get3A_318, %get3A_318 : vector<16xi32>
    %add3A_320 = vector.broadcast %arg0 : i32 to vector<16xi32>
    %add3A_321 = arith.addi %add3A_319, %add3A_320 : vector<16xi32>
    %swap3A_322 = arith.constant 2 : i32
    %swap3A_323 = arith.index_cast %swap3A_322 : i32 to index
    %swap3A_324 = arith.constant 32 : index
    %swap3A_325 = tpu.vector_load %arg7[%swap3A_323, %swap3A_324] {strides = array<i32>} : memref<157x128xi32, #tpu.memory_space<vmem>>, vector<1x16xi32>,
    %swap3A_326 = vector.shape_cast %swap3A_325 : vector<1x16xi32> to vector<16xi32>
    %swap3A_327 = vector.shape_cast %add3A_321 : vector<16xi32> to vector<1x16xi32>
    tpu.vector_store %arg7[%swap3A_323, %swap3A_324], %swap3A_327 {strides = array<i32>} : memref<157x128xi32, #tpu.memory_space<vmem>>, vector<1x16xi32>,
    %get3A_328 = arith.constant 2 : i32
    %get3A_329 = arith.index_cast %get3A_328 : i32 to index
    %get3A_330 = arith.constant 48 : index
    %get3A_331 = tpu.vector_load %arg7[%get3A_329, %get3A_330] {strides = array<i32>} : memref<157x128xi32, #tpu.memory_space<vmem>>, vector<1x16xi32>,
    %get3A_332 = vector.shape_cast %get3A_331 : vector<1x16xi32> to vector<16xi32>
    %add3A_333 = arith.addi %get3A_332, %get3A_332 : vector<16xi32>
    %add3A_334 = vector.broadcast %arg0 : i32 to vector<16xi32>
    %add3A_335 = arith.addi %add3A_333, %add3A_334 : vector<16xi32>
    %swap3A_336 = arith.constant 2 : i32
    %swap3A_337 = arith.index_cast %swap3A_336 : i32 to index
    %swap3A_338 = arith.constant 48 : index
    %swap3A_339 = tpu.vector_load %arg7[%swap3A_337, %swap3A_338] {strides = array<i32>} : memref<157x128xi32, #tpu.memory_space<vmem>>, vector<1x16xi32>,
    %swap3A_340 = vector.shape_cast %swap3A_339 : vector<1x16xi32> to vector<16xi32>
    %swap3A_341 = vector.shape_cast %add3A_335 : vector<16xi32> to vector<1x16xi32>
    tpu.vector_store %arg7[%swap3A_337, %swap3A_338], %swap3A_341 {strides = array<i32>} : memref<157x128xi32, #tpu.memory_space<vmem>>, vector<1x16xi32>,
    %get3A_342 = arith.constant 2 : i32
    %get3A_343 = arith.index_cast %get3A_342 : i32 to index
    %get3A_344 = arith.constant 64 : index
    %get3A_345 = tpu.vector_load %arg7[%get3A_343, %get3A_344] {strides = array<i32>} : memref<157x128xi32, #tpu.memory_space<vmem>>, vector<1x16xi32>,
    %get3A_346 = vector.shape_cast %get3A_345 : vector<1x16xi32> to vector<16xi32>
    %add3A_347 = arith.addi %get3A_346, %get3A_346 : vector<16xi32>
    %add3A_348 = vector.broadcast %arg0 : i32 to vector<16xi32>
    %add3A_349 = arith.addi %add3A_347, %add3A_348 : vector<16xi32>
    %swap3A_350 = arith.constant 2 : i32
    %swap3A_351 = arith.index_cast %swap3A_350 : i32 to index
    %swap3A_352 = arith.constant 64 : index
    %swap3A_353 = tpu.vector_load %arg7[%swap3A_351, %swap3A_352] {strides = array<i32>} : memref<157x128xi32, #tpu.memory_space<vmem>>, vector<1x16xi32>,
    %swap3A_354 = vector.shape_cast %swap3A_353 : vector<1x16xi32> to vector<16xi32>
    %swap3A_355 = vector.shape_cast %add3A_349 : vector<16xi32> to vector<1x16xi32>
    tpu.vector_store %arg7[%swap3A_351, %swap3A_352], %swap3A_355 {strides = array<i32>} : memref<157x128xi32, #tpu.memory_space<vmem>>, vector<1x16xi32>,
    %get3A_356 = arith.constant 2 : i32
    %get3A_357 = arith.index_cast %get3A_356 : i32 to index
    %get3A_358 = arith.constant 80 : index
    %get3A_359 = tpu.vector_load %arg7[%get3A_357, %get3A_358] {strides = array<i32>} : memref<157x128xi32, #tpu.memory_space<vmem>>, vector<1x16xi32>,
    %get3A_360 = vector.shape_cast %get3A_359 : vector<1x16xi32> to vector<16xi32>
    %add3A_361 = arith.addi %get3A_360, %get3A_360 : vector<16xi32>
    %add3A_362 = vector.broadcast %arg0 : i32 to vector<16xi32>
    %add3A_363 = arith.addi %add3A_361, %add3A_362 : vector<16xi32>
    %swap3A_364 = arith.constant 2 : i32
    %swap3A_365 = arith.index_cast %swap3A_364 : i32 to index
    %swap3A_366 = arith.constant 80 : index
    %swap3A_367 = tpu.vector_load %arg7[%swap3A_365, %swap3A_366] {strides = array<i32>} : memref<157x128xi32, #tpu.memory_space<vmem>>, vector<1x16xi32>,
    %swap3A_368 = vector.shape_cast %swap3A_367 : vector<1x16xi32> to vector<16xi32>
    %swap3A_369 = vector.shape_cast %add3A_363 : vector<16xi32> to vector<1x16xi32>
    tpu.vector_store %arg7[%swap3A_365, %swap3A_366], %swap3A_369 {strides = array<i32>} : memref<157x128xi32, #tpu.memory_space<vmem>>, vector<1x16xi32>,
    %get3A_370 = arith.constant 2 : i32
    %get3A_371 = arith.index_cast %get3A_370 : i32 to index
    %get3A_372 = arith.constant 96 : index
    %get3A_373 = tpu.vector_load %arg7[%get3A_371, %get3A_372] {strides = array<i32>} : memref<157x128xi32, #tpu.memory_space<vmem>>, vector<1x16xi32>,
    %get3A_374 = vector.shape_cast %get3A_373 : vector<1x16xi32> to vector<16xi32>
    %add3A_375 = arith.addi %get3A_374, %get3A_374 : vector<16xi32>
    %add3A_376 = vector.broadcast %arg0 : i32 to vector<16xi32>
    %add3A_377 = arith.addi %add3A_375, %add3A_376 : vector<16xi32>
    %swap3A_378 = arith.constant 2 : i32
    %swap3A_379 = arith.index_cast %swap3A_378 : i32 to index
    %swap3A_380 = arith.constant 96 : index
    %swap3A_381 = tpu.vector_load %arg7[%swap3A_379, %swap3A_380] {strides = array<i32>} : memref<157x128xi32, #tpu.memory_space<vmem>>, vector<1x16xi32>,
    %swap3A_382 = vector.shape_cast %swap3A_381 : vector<1x16xi32> to vector<16xi32>
    %swap3A_383 = vector.shape_cast %add3A_377 : vector<16xi32> to vector<1x16xi32>
    tpu.vector_store %arg7[%swap3A_379, %swap3A_380], %swap3A_383 {strides = array<i32>} : memref<157x128xi32, #tpu.memory_space<vmem>>, vector<1x16xi32>,
    %get3A_384 = arith.constant 2 : i32
    %get3A_385 = arith.index_cast %get3A_384 : i32 to index
    %get3A_386 = arith.constant 112 : index
    %get3A_387 = tpu.vector_load %arg7[%get3A_385, %get3A_386] {strides = array<i32>} : memref<157x128xi32, #tpu.memory_space<vmem>>, vector<1x16xi32>,
    %get3A_388 = vector.shape_cast %get3A_387 : vector<1x16xi32> to vector<16xi32>
    %add3A_389 = arith.addi %get3A_388, %get3A_388 : vector<16xi32>
    %add3A_390 = vector.broadcast %arg0 : i32 to vector<16xi32>
    %add3A_391 = arith.addi %add3A_389, %add3A_390 : vector<16xi32>
    %swap3A_392 = arith.constant 2 : i32
    %swap3A_393 = arith.index_cast %swap3A_392 : i32 to index
    %swap3A_394 = arith.constant 112 : index
    %swap3A_395 = tpu.vector_load %arg7[%swap3A_393, %swap3A_394] {strides = array<i32>} : memref<157x128xi32, #tpu.memory_space<vmem>>, vector<1x16xi32>,
    %swap3A_396 = vector.shape_cast %swap3A_395 : vector<1x16xi32> to vector<16xi32>
    %swap3A_397 = vector.shape_cast %add3A_391 : vector<16xi32> to vector<1x16xi32>
    tpu.vector_store %arg7[%swap3A_393, %swap3A_394], %swap3A_397 {strides = array<i32>} : memref<157x128xi32, #tpu.memory_space<vmem>>, vector<1x16xi32>,
    %dma_start3A_398 = arith.constant 2 : i32
    %dma_start3A_399 = arith.constant 2 : i32
    %dma_start3A_400 = arith.constant 0 : i32
    %dma_start3A_401 = arith.constant 0 : i32
    %dma_start3A_402 = tpu.memref_slice %arg8[%dma_start3A_399, %dma_start3A_400, %dma_start3A_401] : memref<6x128x64xf32, #tpu.memory_space<vmem>> -> memref<1x128x64xf32, #tpu.memory_space<vmem>>
    %dma_start3A_403 = tpu.memref_squeeze %dma_start3A_402 : memref<1x128x64xf32, #tpu.memory_space<vmem>> -> memref<128x64xf32, #tpu.memory_space<vmem>>
    %dma_start3A_404 = arith.constant 0 : i32
    %dma_start3A_405 = tpu.memref_slice %arg7[%dma_start3A_398, %dma_start3A_404] : memref<157x128xi32, #tpu.memory_space<vmem>> -> memref<1x128xi32, #tpu.memory_space<vmem>>
    %dma_start3A_406 = tpu.memref_squeeze %dma_start3A_405 : memref<1x128xi32, #tpu.memory_space<vmem>> -> memref<128xi32, #tpu.memory_space<vmem>>
    %dma_start3A_407 = arith.constant 0 : i32
    %dma_start3A_408 = arith.constant 0 : i32
    %dma_start3A_409 = tpu.memref_slice %arg2[%dma_start3A_407, %dma_start3A_408] : memref<20000x64xf32, #tpu.memory_space<hbm>> -> memref<20000x64xf32, #tpu.memory_space<hbm>>
    tpu.enqueue_indirect_dma source(%dma_start3A_409 : memref<20000x64xf32, #tpu.memory_space<hbm>>) target(%dma_start3A_403 : memref<128x64xf32, #tpu.memory_space<vmem>>) offsets(%dma_start3A_406 : memref<128xi32, #tpu.memory_space<vmem>>) semaphore(%arg10 : memref<!tpu.dma_semaphore, #tpu.memory_space<semaphore_mem>>)
    %get3A_410 = arith.constant 3 : i32
    %get3A_411 = arith.index_cast %get3A_410 : i32 to index
    %get3A_412 = arith.constant 0 : index
    %get3A_413 = tpu.vector_load %arg7[%get3A_411, %get3A_412] {strides = array<i32>} : memref<157x128xi32, #tpu.memory_space<vmem>>, vector<1x16xi32>,
    %get3A_414 = vector.shape_cast %get3A_413 : vector<1x16xi32> to vector<16xi32>
    %add3A_415 = arith.addi %get3A_414, %get3A_414 : vector<16xi32>
    %add3A_416 = vector.broadcast %arg0 : i32 to vector<16xi32>
    %add3A_417 = arith.addi %add3A_415, %add3A_416 : vector<16xi32>
    %swap3A_418 = arith.constant 3 : i32
    %swap3A_419 = arith.index_cast %swap3A_418 : i32 to index
    %swap3A_420 = arith.constant 0 : index
    %swap3A_421 = tpu.vector_load %arg7[%swap3A_419, %swap3A_420] {strides = array<i32>} : memref<157x128xi32, #tpu.memory_space<vmem>>, vector<1x16xi32>,
    %swap3A_422 = vector.shape_cast %swap3A_421 : vector<1x16xi32> to vector<16xi32>
    %swap3A_423 = vector.shape_cast %add3A_417 : vector<16xi32> to vector<1x16xi32>
    tpu.vector_store %arg7[%swap3A_419, %swap3A_420], %swap3A_423 {strides = array<i32>} : memref<157x128xi32, #tpu.memory_space<vmem>>, vector<1x16xi32>,
    %get3A_424 = arith.constant 3 : i32
    %get3A_425 = arith.index_cast %get3A_424 : i32 to index
    %get3A_426 = arith.constant 16 : index
    %get3A_427 = tpu.vector_load %arg7[%get3A_425, %get3A_426] {strides = array<i32>} : memref<157x128xi32, #tpu.memory_space<vmem>>, vector<1x16xi32>,
    %get3A_428 = vector.shape_cast %get3A_427 : vector<1x16xi32> to vector<16xi32>
    %add3A_429 = arith.addi %get3A_428, %get3A_428 : vector<16xi32>
    %add3A_430 = vector.broadcast %arg0 : i32 to vector<16xi32>
    %add3A_431 = arith.addi %add3A_429, %add3A_430 : vector<16xi32>
    %swap3A_432 = arith.constant 3 : i32
    %swap3A_433 = arith.index_cast %swap3A_432 : i32 to index
    %swap3A_434 = arith.constant 16 : index
    %swap3A_435 = tpu.vector_load %arg7[%swap3A_433, %swap3A_434] {strides = array<i32>} : memref<157x128xi32, #tpu.memory_space<vmem>>, vector<1x16xi32>,
    %swap3A_436 = vector.shape_cast %swap3A_435 : vector<1x16xi32> to vector<16xi32>
    %swap3A_437 = vector.shape_cast %add3A_431 : vector<16xi32> to vector<1x16xi32>
    tpu.vector_store %arg7[%swap3A_433, %swap3A_434], %swap3A_437 {strides = array<i32>} : memref<157x128xi32, #tpu.memory_space<vmem>>, vector<1x16xi32>,
    %get3A_438 = arith.constant 3 : i32
    %get3A_439 = arith.index_cast %get3A_438 : i32 to index
    %get3A_440 = arith.constant 32 : index
    %get3A_441 = tpu.vector_load %arg7[%get3A_439, %get3A_440] {strides = array<i32>} : memref<157x128xi32, #tpu.memory_space<vmem>>, vector<1x16xi32>,
    %get3A_442 = vector.shape_cast %get3A_441 : vector<1x16xi32> to vector<16xi32>
    %add3A_443 = arith.addi %get3A_442, %get3A_442 : vector<16xi32>
    %add3A_444 = vector.broadcast %arg0 : i32 to vector<16xi32>
    %add3A_445 = arith.addi %add3A_443, %add3A_444 : vector<16xi32>
    %swap3A_446 = arith.constant 3 : i32
    %swap3A_447 = arith.index_cast %swap3A_446 : i32 to index
    %swap3A_448 = arith.constant 32 : index
    %swap3A_449 = tpu.vector_load %arg7[%swap3A_447, %swap3A_448] {strides = array<i32>} : memref<157x128xi32, #tpu.memory_space<vmem>>, vector<1x16xi32>,
    %swap3A_450 = vector.shape_cast %swap3A_449 : vector<1x16xi32> to vector<16xi32>
    %swap3A_451 = vector.shape_cast %add3A_445 : vector<16xi32> to vector<1x16xi32>
    tpu.vector_store %arg7[%swap3A_447, %swap3A_448], %swap3A_451 {strides = array<i32>} : memref<157x128xi32, #tpu.memory_space<vmem>>, vector<1x16xi32>,
    %get3A_452 = arith.constant 3 : i32
    %get3A_453 = arith.index_cast %get3A_452 : i32 to index
    %get3A_454 = arith.constant 48 : index
    %get3A_455 = tpu.vector_load %arg7[%get3A_453, %get3A_454] {strides = array<i32>} : memref<157x128xi32, #tpu.memory_space<vmem>>, vector<1x16xi32>,
    %get3A_456 = vector.shape_cast %get3A_455 : vector<1x16xi32> to vector<16xi32>
    %add3A_457 = arith.addi %get3A_456, %get3A_456 : vector<16xi32>
    %add3A_458 = vector.broadcast %arg0 : i32 to vector<16xi32>
    %add3A_459 = arith.addi %add3A_457, %add3A_458 : vector<16xi32>
    %swap3A_460 = arith.constant 3 : i32
    %swap3A_461 = arith.index_cast %swap3A_460 : i32 to index
    %swap3A_462 = arith.constant 48 : index
    %swap3A_463 = tpu.vector_load %arg7[%swap3A_461, %swap3A_462] {strides = array<i32>} : memref<157x128xi32, #tpu.memory_space<vmem>>, vector<1x16xi32>,
    %swap3A_464 = vector.shape_cast %swap3A_463 : vector<1x16xi32> to vector<16xi32>
    %swap3A_465 = vector.shape_cast %add3A_459 : vector<16xi32> to vector<1x16xi32>
    tpu.vector_store %arg7[%swap3A_461, %swap3A_462], %swap3A_465 {strides = array<i32>} : memref<157x128xi32, #tpu.memory_space<vmem>>, vector<1x16xi32>,
    %get3A_466 = arith.constant 3 : i32
    %get3A_467 = arith.index_cast %get3A_466 : i32 to index
    %get3A_468 = arith.constant 64 : index
    %get3A_469 = tpu.vector_load %arg7[%get3A_467, %get3A_468] {strides = array<i32>} : memref<157x128xi32, #tpu.memory_space<vmem>>, vector<1x16xi32>,
    %get3A_470 = vector.shape_cast %get3A_469 : vector<1x16xi32> to vector<16xi32>
    %add3A_471 = arith.addi %get3A_470, %get3A_470 : vector<16xi32>
    %add3A_472 = vector.broadcast %arg0 : i32 to vector<16xi32>
    %add3A_473 = arith.addi %add3A_471, %add3A_472 : vector<16xi32>
    %swap3A_474 = arith.constant 3 : i32
    %swap3A_475 = arith.index_cast %swap3A_474 : i32 to index
    %swap3A_476 = arith.constant 64 : index
    %swap3A_477 = tpu.vector_load %arg7[%swap3A_475, %swap3A_476] {strides = array<i32>} : memref<157x128xi32, #tpu.memory_space<vmem>>, vector<1x16xi32>,
    %swap3A_478 = vector.shape_cast %swap3A_477 : vector<1x16xi32> to vector<16xi32>
    %swap3A_479 = vector.shape_cast %add3A_473 : vector<16xi32> to vector<1x16xi32>
    tpu.vector_store %arg7[%swap3A_475, %swap3A_476], %swap3A_479 {strides = array<i32>} : memref<157x128xi32, #tpu.memory_space<vmem>>, vector<1x16xi32>,
    %get3A_480 = arith.constant 3 : i32
    %get3A_481 = arith.index_cast %get3A_480 : i32 to index
    %get3A_482 = arith.constant 80 : index
    %get3A_483 = tpu.vector_load %arg7[%get3A_481, %get3A_482] {strides = array<i32>} : memref<157x128xi32, #tpu.memory_space<vmem>>, vector<1x16xi32>,
    %get3A_484 = vector.shape_cast %get3A_483 : vector<1x16xi32> to vector<16xi32>
    %add3A_485 = arith.addi %get3A_484, %get3A_484 : vector<16xi32>
    %add3A_486 = vector.broadcast %arg0 : i32 to vector<16xi32>
    %add3A_487 = arith.addi %add3A_485, %add3A_486 : vector<16xi32>
    %swap3A_488 = arith.constant 3 : i32
    %swap3A_489 = arith.index_cast %swap3A_488 : i32 to index
    %swap3A_490 = arith.constant 80 : index
    %swap3A_491 = tpu.vector_load %arg7[%swap3A_489, %swap3A_490] {strides = array<i32>} : memref<157x128xi32, #tpu.memory_space<vmem>>, vector<1x16xi32>,
    %swap3A_492 = vector.shape_cast %swap3A_491 : vector<1x16xi32> to vector<16xi32>
    %swap3A_493 = vector.shape_cast %add3A_487 : vector<16xi32> to vector<1x16xi32>
    tpu.vector_store %arg7[%swap3A_489, %swap3A_490], %swap3A_493 {strides = array<i32>} : memref<157x128xi32, #tpu.memory_space<vmem>>, vector<1x16xi32>,
    %get3A_494 = arith.constant 3 : i32
    %get3A_495 = arith.index_cast %get3A_494 : i32 to index
    %get3A_496 = arith.constant 96 : index
    %get3A_497 = tpu.vector_load %arg7[%get3A_495, %get3A_496] {strides = array<i32>} : memref<157x128xi32, #tpu.memory_space<vmem>>, vector<1x16xi32>,
    %get3A_498 = vector.shape_cast %get3A_497 : vector<1x16xi32> to vector<16xi32>
    %add3A_499 = arith.addi %get3A_498, %get3A_498 : vector<16xi32>
    %add3A_500 = vector.broadcast %arg0 : i32 to vector<16xi32>
    %add3A_501 = arith.addi %add3A_499, %add3A_500 : vector<16xi32>
    %swap3A_502 = arith.constant 3 : i32
    %swap3A_503 = arith.index_cast %swap3A_502 : i32 to index
    %swap3A_504 = arith.constant 96 : index
    %swap3A_505 = tpu.vector_load %arg7[%swap3A_503, %swap3A_504] {strides = array<i32>} : memref<157x128xi32, #tpu.memory_space<vmem>>, vector<1x16xi32>,
    %swap3A_506 = vector.shape_cast %swap3A_505 : vector<1x16xi32> to vector<16xi32>
    %swap3A_507 = vector.shape_cast %add3A_501 : vector<16xi32> to vector<1x16xi32>
    tpu.vector_store %arg7[%swap3A_503, %swap3A_504], %swap3A_507 {strides = array<i32>} : memref<157x128xi32, #tpu.memory_space<vmem>>, vector<1x16xi32>,
    %get3A_508 = arith.constant 3 : i32
    %get3A_509 = arith.index_cast %get3A_508 : i32 to index
    %get3A_510 = arith.constant 112 : index
    %get3A_511 = tpu.vector_load %arg7[%get3A_509, %get3A_510] {strides = array<i32>} : memref<157x128xi32, #tpu.memory_space<vmem>>, vector<1x16xi32>,
    %get3A_512 = vector.shape_cast %get3A_511 : vector<1x16xi32> to vector<16xi32>
    %add3A_513 = arith.addi %get3A_512, %get3A_512 : vector<16xi32>
    %add3A_514 = vector.broadcast %arg0 : i32 to vector<16xi32>
    %add3A_515 = arith.addi %add3A_513, %add3A_514 : vector<16xi32>
    %swap3A_516 = arith.constant 3 : i32
    %swap3A_517 = arith.index_cast %swap3A_516 : i32 to index
    %swap3A_518 = arith.constant 112 : index
    %swap3A_519 = tpu.vector_load %arg7[%swap3A_517, %swap3A_518] {strides = array<i32>} : memref<157x128xi32, #tpu.memory_space<vmem>>, vector<1x16xi32>,
    %swap3A_520 = vector.shape_cast %swap3A_519 : vector<1x16xi32> to vector<16xi32>
    %swap3A_521 = vector.shape_cast %add3A_515 : vector<16xi32> to vector<1x16xi32>
    tpu.vector_store %arg7[%swap3A_517, %swap3A_518], %swap3A_521 {strides = array<i32>} : memref<157x128xi32, #tpu.memory_space<vmem>>, vector<1x16xi32>,
    %dma_start3A_522 = arith.constant 3 : i32
    %dma_start3A_523 = arith.constant 3 : i32
    %dma_start3A_524 = arith.constant 0 : i32
    %dma_start3A_525 = arith.constant 0 : i32
    %dma_start3A_526 = tpu.memref_slice %arg8[%dma_start3A_523, %dma_start3A_524, %dma_start3A_525] : memref<6x128x64xf32, #tpu.memory_space<vmem>> -> memref<1x128x64xf32, #tpu.memory_space<vmem>>
    %dma_start3A_527 = tpu.memref_squeeze %dma_start3A_526 : memref<1x128x64xf32, #tpu.memory_space<vmem>> -> memref<128x64xf32, #tpu.memory_space<vmem>>
    %dma_start3A_528 = arith.constant 0 : i32
    %dma_start3A_529 = tpu.memref_slice %arg7[%dma_start3A_522, %dma_start3A_528] : memref<157x128xi32, #tpu.memory_space<vmem>> -> memref<1x128xi32, #tpu.memory_space<vmem>>
    %dma_start3A_530 = tpu.memref_squeeze %dma_start3A_529 : memref<1x128xi32, #tpu.memory_space<vmem>> -> memref<128xi32, #tpu.memory_space<vmem>>
    %dma_start3A_531 = arith.constant 0 : i32
    %dma_start3A_532 = arith.constant 0 : i32
    %dma_start3A_533 = tpu.memref_slice %arg2[%dma_start3A_531, %dma_start3A_532] : memref<20000x64xf32, #tpu.memory_space<hbm>> -> memref<20000x64xf32, #tpu.memory_space<hbm>>
    tpu.enqueue_indirect_dma source(%dma_start3A_533 : memref<20000x64xf32, #tpu.memory_space<hbm>>) target(%dma_start3A_527 : memref<128x64xf32, #tpu.memory_space<vmem>>) offsets(%dma_start3A_530 : memref<128xi32, #tpu.memory_space<vmem>>) semaphore(%arg10 : memref<!tpu.dma_semaphore, #tpu.memory_space<semaphore_mem>>)
    %scan3A = arith.constant 0 : i32
    %scan3A_534 = arith.constant 0 : i32
    %scan3A_535 = arith.constant 157 : i32
    %scan3A_536 = arith.addi %scan3A_534, %scan3A_535 : i32
    %scan3A_537 = arith.constant 1 : i32
    scf.for %scan3A_570 = %scan3A_534 to %scan3A_536 step %scan3A_537  : i32 {
      %lt3A = arith.constant 153 : i32
      %lt3A_571 = arith.cmpi slt, %scan3A_570, %lt3A : i32
      %convert_element_type3A = arith.extui %lt3A_571 : i1 to i32
      %cond3A = arith.constant 0 : i32
      %cond3A_572 = arith.cmpi ne, %convert_element_type3A, %cond3A : i32
      scf.if %cond3A_572 {
        %add3A_603 = arith.constant 4 : i32
        %add3A_604 = arith.addi %scan3A_570, %add3A_603 : i32
        %get3A_605 = arith.index_cast %add3A_604 : i32 to index
        %get3A_606 = arith.constant 0 : index
        %get3A_607 = tpu.vector_load %arg7[%get3A_605, %get3A_606] {strides = array<i32>} : memref<157x128xi32, #tpu.memory_space<vmem>>, vector<1x16xi32>,
        %get3A_608 = vector.shape_cast %get3A_607 : vector<1x16xi32> to vector<16xi32>
        %add3A_609 = arith.addi %get3A_608, %get3A_608 : vector<16xi32>
        %add3A_610 = vector.broadcast %arg0 : i32 to vector<16xi32>
        %add3A_611 = arith.addi %add3A_609, %add3A_610 : vector<16xi32>
        %swap3A_612 = arith.index_cast %add3A_604 : i32 to index
        %swap3A_613 = arith.constant 0 : index
        %swap3A_614 = tpu.vector_load %arg7[%swap3A_612, %swap3A_613] {strides = array<i32>} : memref<157x128xi32, #tpu.memory_space<vmem>>, vector<1x16xi32>,
        %swap3A_615 = vector.shape_cast %swap3A_614 : vector<1x16xi32> to vector<16xi32>
        %swap3A_616 = vector.shape_cast %add3A_611 : vector<16xi32> to vector<1x16xi32>
        tpu.vector_store %arg7[%swap3A_612, %swap3A_613], %swap3A_616 {strides = array<i32>} : memref<157x128xi32, #tpu.memory_space<vmem>>, vector<1x16xi32>,
        %get3A_617 = arith.index_cast %add3A_604 : i32 to index
        %get3A_618 = arith.constant 16 : index
        %get3A_619 = tpu.vector_load %arg7[%get3A_617, %get3A_618] {strides = array<i32>} : memref<157x128xi32, #tpu.memory_space<vmem>>, vector<1x16xi32>,
        %get3A_620 = vector.shape_cast %get3A_619 : vector<1x16xi32> to vector<16xi32>
        %add3A_621 = arith.addi %get3A_620, %get3A_620 : vector<16xi32>
        %add3A_622 = vector.broadcast %arg0 : i32 to vector<16xi32>
        %add3A_623 = arith.addi %add3A_621, %add3A_622 : vector<16xi32>
        %swap3A_624 = arith.index_cast %add3A_604 : i32 to index
        %swap3A_625 = arith.constant 16 : index
        %swap3A_626 = tpu.vector_load %arg7[%swap3A_624, %swap3A_625] {strides = array<i32>} : memref<157x128xi32, #tpu.memory_space<vmem>>, vector<1x16xi32>,
        %swap3A_627 = vector.shape_cast %swap3A_626 : vector<1x16xi32> to vector<16xi32>
        %swap3A_628 = vector.shape_cast %add3A_623 : vector<16xi32> to vector<1x16xi32>
        tpu.vector_store %arg7[%swap3A_624, %swap3A_625], %swap3A_628 {strides = array<i32>} : memref<157x128xi32, #tpu.memory_space<vmem>>, vector<1x16xi32>,
        %get3A_629 = arith.index_cast %add3A_604 : i32 to index
        %get3A_630 = arith.constant 32 : index
        %get3A_631 = tpu.vector_load %arg7[%get3A_629, %get3A_630] {strides = array<i32>} : memref<157x128xi32, #tpu.memory_space<vmem>>, vector<1x16xi32>,
        %get3A_632 = vector.shape_cast %get3A_631 : vector<1x16xi32> to vector<16xi32>
        %add3A_633 = arith.addi %get3A_632, %get3A_632 : vector<16xi32>
        %add3A_634 = vector.broadcast %arg0 : i32 to vector<16xi32>
        %add3A_635 = arith.addi %add3A_633, %add3A_634 : vector<16xi32>
        %swap3A_636 = arith.index_cast %add3A_604 : i32 to index
        %swap3A_637 = arith.constant 32 : index
        %swap3A_638 = tpu.vector_load %arg7[%swap3A_636, %swap3A_637] {strides = array<i32>} : memref<157x128xi32, #tpu.memory_space<vmem>>, vector<1x16xi32>,
        %swap3A_639 = vector.shape_cast %swap3A_638 : vector<1x16xi32> to vector<16xi32>
        %swap3A_640 = vector.shape_cast %add3A_635 : vector<16xi32> to vector<1x16xi32>
        tpu.vector_store %arg7[%swap3A_636, %swap3A_637], %swap3A_640 {strides = array<i32>} : memref<157x128xi32, #tpu.memory_space<vmem>>, vector<1x16xi32>,
        %get3A_641 = arith.index_cast %add3A_604 : i32 to index
        %get3A_642 = arith.constant 48 : index
        %get3A_643 = tpu.vector_load %arg7[%get3A_641, %get3A_642] {strides = array<i32>} : memref<157x128xi32, #tpu.memory_space<vmem>>, vector<1x16xi32>,
        %get3A_644 = vector.shape_cast %get3A_643 : vector<1x16xi32> to vector<16xi32>
        %add3A_645 = arith.addi %get3A_644, %get3A_644 : vector<16xi32>
        %add3A_646 = vector.broadcast %arg0 : i32 to vector<16xi32>
        %add3A_647 = arith.addi %add3A_645, %add3A_646 : vector<16xi32>
        %swap3A_648 = arith.index_cast %add3A_604 : i32 to index
        %swap3A_649 = arith.constant 48 : index
        %swap3A_650 = tpu.vector_load %arg7[%swap3A_648, %swap3A_649] {strides = array<i32>} : memref<157x128xi32, #tpu.memory_space<vmem>>, vector<1x16xi32>,
        %swap3A_651 = vector.shape_cast %swap3A_650 : vector<1x16xi32> to vector<16xi32>
        %swap3A_652 = vector.shape_cast %add3A_647 : vector<16xi32> to vector<1x16xi32>
        tpu.vector_store %arg7[%swap3A_648, %swap3A_649], %swap3A_652 {strides = array<i32>} : memref<157x128xi32, #tpu.memory_space<vmem>>, vector<1x16xi32>,
        %get3A_653 = arith.index_cast %add3A_604 : i32 to index
        %get3A_654 = arith.constant 64 : index
        %get3A_655 = tpu.vector_load %arg7[%get3A_653, %get3A_654] {strides = array<i32>} : memref<157x128xi32, #tpu.memory_space<vmem>>, vector<1x16xi32>,
        %get3A_656 = vector.shape_cast %get3A_655 : vector<1x16xi32> to vector<16xi32>
        %add3A_657 = arith.addi %get3A_656, %get3A_656 : vector<16xi32>
        %add3A_658 = vector.broadcast %arg0 : i32 to vector<16xi32>
        %add3A_659 = arith.addi %add3A_657, %add3A_658 : vector<16xi32>
        %swap3A_660 = arith.index_cast %add3A_604 : i32 to index
        %swap3A_661 = arith.constant 64 : index
        %swap3A_662 = tpu.vector_load %arg7[%swap3A_660, %swap3A_661] {strides = array<i32>} : memref<157x128xi32, #tpu.memory_space<vmem>>, vector<1x16xi32>,
        %swap3A_663 = vector.shape_cast %swap3A_662 : vector<1x16xi32> to vector<16xi32>
        %swap3A_664 = vector.shape_cast %add3A_659 : vector<16xi32> to vector<1x16xi32>
        tpu.vector_store %arg7[%swap3A_660, %swap3A_661], %swap3A_664 {strides = array<i32>} : memref<157x128xi32, #tpu.memory_space<vmem>>, vector<1x16xi32>,
        %get3A_665 = arith.index_cast %add3A_604 : i32 to index
        %get3A_666 = arith.constant 80 : index
        %get3A_667 = tpu.vector_load %arg7[%get3A_665, %get3A_666] {strides = array<i32>} : memref<157x128xi32, #tpu.memory_space<vmem>>, vector<1x16xi32>,
        %get3A_668 = vector.shape_cast %get3A_667 : vector<1x16xi32> to vector<16xi32>
        %add3A_669 = arith.addi %get3A_668, %get3A_668 : vector<16xi32>
        %add3A_670 = vector.broadcast %arg0 : i32 to vector<16xi32>
        %add3A_671 = arith.addi %add3A_669, %add3A_670 : vector<16xi32>
        %swap3A_672 = arith.index_cast %add3A_604 : i32 to index
        %swap3A_673 = arith.constant 80 : index
        %swap3A_674 = tpu.vector_load %arg7[%swap3A_672, %swap3A_673] {strides = array<i32>} : memref<157x128xi32, #tpu.memory_space<vmem>>, vector<1x16xi32>,
        %swap3A_675 = vector.shape_cast %swap3A_674 : vector<1x16xi32> to vector<16xi32>
        %swap3A_676 = vector.shape_cast %add3A_671 : vector<16xi32> to vector<1x16xi32>
        tpu.vector_store %arg7[%swap3A_672, %swap3A_673], %swap3A_676 {strides = array<i32>} : memref<157x128xi32, #tpu.memory_space<vmem>>, vector<1x16xi32>,
        %get3A_677 = arith.index_cast %add3A_604 : i32 to index
        %get3A_678 = arith.constant 96 : index
        %get3A_679 = tpu.vector_load %arg7[%get3A_677, %get3A_678] {strides = array<i32>} : memref<157x128xi32, #tpu.memory_space<vmem>>, vector<1x16xi32>,
        %get3A_680 = vector.shape_cast %get3A_679 : vector<1x16xi32> to vector<16xi32>
        %add3A_681 = arith.addi %get3A_680, %get3A_680 : vector<16xi32>
        %add3A_682 = vector.broadcast %arg0 : i32 to vector<16xi32>
        %add3A_683 = arith.addi %add3A_681, %add3A_682 : vector<16xi32>
        %swap3A_684 = arith.index_cast %add3A_604 : i32 to index
        %swap3A_685 = arith.constant 96 : index
        %swap3A_686 = tpu.vector_load %arg7[%swap3A_684, %swap3A_685] {strides = array<i32>} : memref<157x128xi32, #tpu.memory_space<vmem>>, vector<1x16xi32>,
        %swap3A_687 = vector.shape_cast %swap3A_686 : vector<1x16xi32> to vector<16xi32>
        %swap3A_688 = vector.shape_cast %add3A_683 : vector<16xi32> to vector<1x16xi32>
        tpu.vector_store %arg7[%swap3A_684, %swap3A_685], %swap3A_688 {strides = array<i32>} : memref<157x128xi32, #tpu.memory_space<vmem>>, vector<1x16xi32>,
        %get3A_689 = arith.index_cast %add3A_604 : i32 to index
        %get3A_690 = arith.constant 112 : index
        %get3A_691 = tpu.vector_load %arg7[%get3A_689, %get3A_690] {strides = array<i32>} : memref<157x128xi32, #tpu.memory_space<vmem>>, vector<1x16xi32>,
        %get3A_692 = vector.shape_cast %get3A_691 : vector<1x16xi32> to vector<16xi32>
        %add3A_693 = arith.addi %get3A_692, %get3A_692 : vector<16xi32>
        %add3A_694 = vector.broadcast %arg0 : i32 to vector<16xi32>
        %add3A_695 = arith.addi %add3A_693, %add3A_694 : vector<16xi32>
        %swap3A_696 = arith.index_cast %add3A_604 : i32 to index
        %swap3A_697 = arith.constant 112 : index
        %swap3A_698 = tpu.vector_load %arg7[%swap3A_696, %swap3A_697] {strides = array<i32>} : memref<157x128xi32, #tpu.memory_space<vmem>>, vector<1x16xi32>,
        %swap3A_699 = vector.shape_cast %swap3A_698 : vector<1x16xi32> to vector<16xi32>
        %swap3A_700 = vector.shape_cast %add3A_695 : vector<16xi32> to vector<1x16xi32>
        tpu.vector_store %arg7[%swap3A_696, %swap3A_697], %swap3A_700 {strides = array<i32>} : memref<157x128xi32, #tpu.memory_space<vmem>>, vector<1x16xi32>,
      } else {
      }
      %rem3A = arith.constant 6 : i32
      %rem3A_573 = arith.remsi %scan3A_570, %rem3A : i32
      %dma_wait3A_574 = arith.constant 0 : i32
      %dma_wait3A_575 = arith.constant 0 : i32
      %dma_wait3A_576 = tpu.memref_slice %arg8[%rem3A_573, %dma_wait3A_574, %dma_wait3A_575] : memref<6x128x64xf32, #tpu.memory_space<vmem>> -> memref<1x128x64xf32, #tpu.memory_space<vmem>>
      %dma_wait3A_577 = tpu.memref_squeeze %dma_wait3A_576 : memref<1x128x64xf32, #tpu.memory_space<vmem>> -> memref<128x64xf32, #tpu.memory_space<vmem>>
      %dma_wait3A_578 = arith.constant 0 : i32
      %dma_wait3A_579 = tpu.memref_slice %arg7[%scan3A_570, %dma_wait3A_578] : memref<157x128xi32, #tpu.memory_space<vmem>> -> memref<1x128xi32, #tpu.memory_space<vmem>>
      %dma_wait3A_580 = tpu.memref_squeeze %dma_wait3A_579 : memref<1x128xi32, #tpu.memory_space<vmem>> -> memref<128xi32, #tpu.memory_space<vmem>>
      %dma_wait3A_581 = arith.constant 0 : i32
      %dma_wait3A_582 = arith.constant 0 : i32
      %dma_wait3A_583 = tpu.memref_slice %arg2[%dma_wait3A_581, %dma_wait3A_582] : memref<20000x64xf32, #tpu.memory_space<hbm>> -> memref<20000x64xf32, #tpu.memory_space<hbm>>
      tpu.wait_indirect_dma semaphore(%arg10 : memref<!tpu.dma_semaphore, #tpu.memory_space<semaphore_mem>>) src(%dma_wait3A_583 : memref<20000x64xf32, #tpu.memory_space<hbm>>) dst(%dma_wait3A_577 : memref<128x64xf32, #tpu.memory_space<vmem>>)
      %dma_start3A_584 = arith.constant 0 : i32
      %dma_start3A_585 = arith.constant 0 : i32
      %dma_start3A_586 = tpu.memref_slice %arg8[%rem3A_573, %dma_start3A_584, %dma_start3A_585] : memref<6x128x64xf32, #tpu.memory_space<vmem>> -> memref<1x128x64xf32, #tpu.memory_space<vmem>>
      %dma_start3A_587 = tpu.memref_squeeze %dma_start3A_586 : memref<1x128x64xf32, #tpu.memory_space<vmem>> -> memref<128x64xf32, #tpu.memory_space<vmem>>
      %dma_start3A_588 = arith.constant 0 : i32
      %dma_start3A_589 = tpu.memref_slice %arg6[%scan3A_570, %dma_start3A_588] : memref<157x128xi32, #tpu.memory_space<vmem>> -> memref<1x128xi32, #tpu.memory_space<vmem>>
      %dma_start3A_590 = tpu.memref_squeeze %dma_start3A_589 : memref<1x128xi32, #tpu.memory_space<vmem>> -> memref<128xi32, #tpu.memory_space<vmem>>
      %dma_start3A_591 = arith.constant 0 : i32
      %dma_start3A_592 = arith.constant 0 : i32
      %dma_start3A_593 = tpu.memref_slice %arg9[%dma_start3A_591, %dma_start3A_592] : memref<10240x64xf32, #tpu.memory_space<vmem_shared>> -> memref<10240x64xf32, #tpu.memory_space<vmem_shared>>
      tpu.enqueue_indirect_dma source(%dma_start3A_587 : memref<128x64xf32, #tpu.memory_space<vmem>>) target(%dma_start3A_593 : memref<10240x64xf32, #tpu.memory_space<vmem_shared>>) offsets(%dma_start3A_590 : memref<128xi32, #tpu.memory_space<vmem>>) semaphore(%arg11 : memref<!tpu.dma_semaphore, #tpu.memory_space<semaphore_mem>>) {add = true}
      %ge3A = arith.constant 2 : i32
      %ge3A_594 = arith.cmpi sge, %scan3A_570, %ge3A : i32
      %convert_element_type3A_595 = arith.extui %ge3A_594 : i1 to i32
      %cond3A_596 = arith.constant 0 : i32
      %cond3A_597 = arith.cmpi ne, %convert_element_type3A_595, %cond3A_596 : i32
      scf.if %cond3A_597 {
        %dma_wait3A_603 = arith.constant 0 : i32
        %dma_wait3A_604 = arith.constant 0 : i32
        %dma_wait3A_605 = tpu.memref_slice %arg8[%rem3A_573, %dma_wait3A_603, %dma_wait3A_604] : memref<6x128x64xf32, #tpu.memory_space<vmem>> -> memref<1x128x64xf32, #tpu.memory_space<vmem>>
        %dma_wait3A_606 = tpu.memref_squeeze %dma_wait3A_605 : memref<1x128x64xf32, #tpu.memory_space<vmem>> -> memref<128x64xf32, #tpu.memory_space<vmem>>
        %dma_wait3A_607 = arith.constant 0 : i32
        %dma_wait3A_608 = tpu.memref_slice %arg6[%scan3A_570, %dma_wait3A_607] : memref<157x128xi32, #tpu.memory_space<vmem>> -> memref<1x128xi32, #tpu.memory_space<vmem>>
        %dma_wait3A_609 = tpu.memref_squeeze %dma_wait3A_608 : memref<1x128xi32, #tpu.memory_space<vmem>> -> memref<128xi32, #tpu.memory_space<vmem>>
        %dma_wait3A_610 = arith.constant 0 : i32
        %dma_wait3A_611 = arith.constant 0 : i32
        %dma_wait3A_612 = tpu.memref_slice %arg9[%dma_wait3A_610, %dma_wait3A_611] : memref<10240x64xf32, #tpu.memory_space<vmem_shared>> -> memref<10240x64xf32, #tpu.memory_space<vmem_shared>>
        tpu.wait_indirect_dma semaphore(%arg11 : memref<!tpu.dma_semaphore, #tpu.memory_space<semaphore_mem>>) src(%dma_wait3A_606 : memref<128x64xf32, #tpu.memory_space<vmem>>) dst(%dma_wait3A_612 : memref<10240x64xf32, #tpu.memory_space<vmem_shared>>)
      } else {
      }
      %lt3A_598 = arith.constant 153 : i32
      %lt3A_599 = arith.cmpi slt, %scan3A_570, %lt3A_598 : i32
      %convert_element_type3A_600 = arith.extui %lt3A_599 : i1 to i32
      %cond3A_601 = arith.constant 0 : i32
      %cond3A_602 = arith.cmpi ne, %convert_element_type3A_600, %cond3A_601 : i32
      scf.if %cond3A_602 {
        %add3A_603 = arith.constant 4 : i32
        %add3A_604 = arith.addi %scan3A_570, %add3A_603 : i32
        %add3A_605 = arith.constant 4 : i32
        %add3A_606 = arith.addi %scan3A_570, %add3A_605 : i32
        %rem3A_607 = arith.constant 6 : i32
        %rem3A_608 = arith.remsi %add3A_606, %rem3A_607 : i32
        %dma_start3A_609 = arith.constant 0 : i32
        %dma_start3A_610 = arith.constant 0 : i32
        %dma_start3A_611 = tpu.memref_slice %arg8[%rem3A_608, %dma_start3A_609, %dma_start3A_610] : memref<6x128x64xf32, #tpu.memory_space<vmem>> -> memref<1x128x64xf32, #tpu.memory_space<vmem>>
        %dma_start3A_612 = tpu.memref_squeeze %dma_start3A_611 : memref<1x128x64xf32, #tpu.memory_space<vmem>> -> memref<128x64xf32, #tpu.memory_space<vmem>>
        %dma_start3A_613 = arith.constant 0 : i32
        %dma_start3A_614 = tpu.memref_slice %arg7[%add3A_604, %dma_start3A_613] : memref<157x128xi32, #tpu.memory_space<vmem>> -> memref<1x128xi32, #tpu.memory_space<vmem>>
        %dma_start3A_615 = tpu.memref_squeeze %dma_start3A_614 : memref<1x128xi32, #tpu.memory_space<vmem>> -> memref<128xi32, #tpu.memory_space<vmem>>
        %dma_start3A_616 = arith.constant 0 : i32
        %dma_start3A_617 = arith.constant 0 : i32
        %dma_start3A_618 = tpu.memref_slice %arg2[%dma_start3A_616, %dma_start3A_617] : memref<20000x64xf32, #tpu.memory_space<hbm>> -> memref<20000x64xf32, #tpu.memory_space<hbm>>
        tpu.enqueue_indirect_dma source(%dma_start3A_618 : memref<20000x64xf32, #tpu.memory_space<hbm>>) target(%dma_start3A_612 : memref<128x64xf32, #tpu.memory_space<vmem>>) offsets(%dma_start3A_615 : memref<128xi32, #tpu.memory_space<vmem>>) semaphore(%arg10 : memref<!tpu.dma_semaphore, #tpu.memory_space<semaphore_mem>>)
      } else {
      }
    }
    %scan3A_538 = arith.constant 157 : i32
    %dma_wait3A_539 = arith.constant 0 : i32
    %dma_wait3A_540 = arith.constant 0 : i32
    %dma_wait3A_541 = arith.constant 0 : i32
    %dma_wait3A_542 = arith.constant 0 : i32
    %dma_wait3A_543 = tpu.memref_slice %arg8[%dma_wait3A_539, %dma_wait3A_541, %dma_wait3A_542] : memref<6x128x64xf32, #tpu.memory_space<vmem>> -> memref<1x128x64xf32, #tpu.memory_space<vmem>>
    %dma_wait3A_544 = tpu.memref_squeeze %dma_wait3A_543 : memref<1x128x64xf32, #tpu.memory_space<vmem>> -> memref<128x64xf32, #tpu.memory_space<vmem>>
    %dma_wait3A_545 = arith.constant 0 : i32
    %dma_wait3A_546 = tpu.memref_slice %arg6[%dma_wait3A_540, %dma_wait3A_545] : memref<157x128xi32, #tpu.memory_space<vmem>> -> memref<1x128xi32, #tpu.memory_space<vmem>>
    %dma_wait3A_547 = tpu.memref_squeeze %dma_wait3A_546 : memref<1x128xi32, #tpu.memory_space<vmem>> -> memref<128xi32, #tpu.memory_space<vmem>>
    %dma_wait3A_548 = arith.constant 0 : i32
    %dma_wait3A_549 = arith.constant 0 : i32
    %dma_wait3A_550 = tpu.memref_slice %arg9[%dma_wait3A_548, %dma_wait3A_549] : memref<10240x64xf32, #tpu.memory_space<vmem_shared>> -> memref<10240x64xf32, #tpu.memory_space<vmem_shared>>
    tpu.wait_indirect_dma semaphore(%arg11 : memref<!tpu.dma_semaphore, #tpu.memory_space<semaphore_mem>>) src(%dma_wait3A_544 : memref<128x64xf32, #tpu.memory_space<vmem>>) dst(%dma_wait3A_550 : memref<10240x64xf32, #tpu.memory_space<vmem_shared>>)
    %dma_wait3A_551 = arith.constant 0 : i32
    %dma_wait3A_552 = arith.constant 0 : i32
    %dma_wait3A_553 = arith.constant 0 : i32
    %dma_wait3A_554 = arith.constant 0 : i32
    %dma_wait3A_555 = tpu.memref_slice %arg8[%dma_wait3A_551, %dma_wait3A_553, %dma_wait3A_554] : memref<6x128x64xf32, #tpu.memory_space<vmem>> -> memref<1x128x64xf32, #tpu.memory_space<vmem>>
    %dma_wait3A_556 = tpu.memref_squeeze %dma_wait3A_555 : memref<1x128x64xf32, #tpu.memory_space<vmem>> -> memref<128x64xf32, #tpu.memory_space<vmem>>
    %dma_wait3A_557 = arith.constant 0 : i32
    %dma_wait3A_558 = tpu.memref_slice %arg6[%dma_wait3A_552, %dma_wait3A_557] : memref<157x128xi32, #tpu.memory_space<vmem>> -> memref<1x128xi32, #tpu.memory_space<vmem>>
    %dma_wait3A_559 = tpu.memref_squeeze %dma_wait3A_558 : memref<1x128xi32, #tpu.memory_space<vmem>> -> memref<128xi32, #tpu.memory_space<vmem>>
    %dma_wait3A_560 = arith.constant 0 : i32
    %dma_wait3A_561 = arith.constant 0 : i32
    %dma_wait3A_562 = tpu.memref_slice %arg9[%dma_wait3A_560, %dma_wait3A_561] : memref<10240x64xf32, #tpu.memory_space<vmem_shared>> -> memref<10240x64xf32, #tpu.memory_space<vmem_shared>>
    tpu.wait_indirect_dma semaphore(%arg11 : memref<!tpu.dma_semaphore, #tpu.memory_space<semaphore_mem>>) src(%dma_wait3A_556 : memref<128x64xf32, #tpu.memory_space<vmem>>) dst(%dma_wait3A_562 : memref<10240x64xf32, #tpu.memory_space<vmem_shared>>)
    %barrier3A_563 = arith.constant 0 : index
    tpu.barrier barrier_id(%barrier3A_563)
    %mul3A_564 = arith.constant 625 : i32
    %mul3A_565 = arith.muli %arg1, %mul3A_564 : i32
    %mul3A_566 = arith.constant 625 : i32
    %mul3A_567 = arith.muli %arg1, %mul3A_566 : i32
    %mul3A_568 = arith.constant 64 : i32
    %mul3A_569 = arith.muli %arg0, %mul3A_568 : i32
    "tpu.region"() ({
      %run_scoped3A = tpu.sem_alloc : memref<!tpu.dma_semaphore, #tpu.memory_space<semaphore_mem>>
      %dma_start3A_570 = tpu.memref_slice %arg5[%mul3A_567, %mul3A_569] : memref<10000x128xf32, #tpu.memory_space<hbm>> -> memref<625x64xf32, #tpu.memory_space<hbm>>
      %dma_start3A_571 = arith.constant 0 : i32
      %dma_start3A_572 = tpu.memref_slice %arg9[%mul3A_565, %dma_start3A_571] : memref<10240x64xf32, #tpu.memory_space<vmem_shared>> -> memref<625x64xf32, #tpu.memory_space<vmem_shared>>
      tpu.enqueue_dma source(%dma_start3A_572 : memref<625x64xf32, #tpu.memory_space<vmem_shared>>) target(%dma_start3A_570 : memref<625x64xf32, #tpu.memory_space<hbm>>) target_semaphore(%run_scoped3A : memref<!tpu.dma_semaphore, #tpu.memory_space<semaphore_mem>>)
      %dma_wait3A_573 = tpu.memref_slice %arg5[%mul3A_567, %mul3A_569] : memref<10000x128xf32, #tpu.memory_space<hbm>> -> memref<625x64xf32, #tpu.memory_space<hbm>>
      %dma_wait3A_574 = arith.constant 0 : i32
      %dma_wait3A_575 = tpu.memref_slice %arg9[%mul3A_565, %dma_wait3A_574] : memref<10240x64xf32, #tpu.memory_space<vmem_shared>> -> memref<625x64xf32, #tpu.memory_space<vmem_shared>>
      tpu.wait_dma2 semaphore(%run_scoped3A : memref<!tpu.dma_semaphore, #tpu.memory_space<semaphore_mem>>) src(%dma_wait3A_575 : memref<625x64xf32, #tpu.memory_space<vmem_shared>>) dst(%dma_wait3A_573 : memref<625x64xf32, #tpu.memory_space<hbm>>)
      tpu.yield
    }) : () -> ()
    return
  }
}

</mosaic_0001>

<sc_bundles>
// kernel: kernel.3.cloned.1.call-start
scs
__scs_entry_jumppad:
0x0: {  	(pc) =	sbr.rel $0x88, $3  }
0x1: {  	(tag) =	ssettag $0x0;
	lr =	simm.s32 $0x1  }
0x2: {  	[smem:$0x3F9F] =	sst lr;
	_ =	strace $0xD0000000  }
0x3: {  	_ = 	snop  }
0x4: {  	_ = 	snop  }
0x5: {  	_ = 	snop  }
0x6: {  	_ = 	snop  }
0x7: {  	_ = 	snop  }
__scs_overlays_trampoline_lowered:
0x8: {  	[smem:$0x3FAE] =	sst s0  }
0x9: {  	[smem:$0x3FAF] =	sst s1  }
0xa: {  	[smem:$0x3FB0] =	sst s2  }
0xb: {  	[smem:$0x3FB1] =	sst s3  }
0xc: {  	[smem:$0x3FB2] =	sst s4  }
0xd: {  	[smem:$0x3FB3] =	sst s5  }
0xe: {  	[smem:$0x3FB4] =	sst s6  }
0xf: {  	[smem:$0x3FB5] =	sst s7  }
0x10: {  	[smem:$0x3FB6] =	sst s8  }
0x11: {  	[smem:$0x3FB7] =	sst s9;
	s0 =	simm.s32 @!p0 $0x0  }
0x12: {  	s1 =	sld [smem:$0x3F9D];
	s0 =	simm.s32 @p0 $0x1  }
0x13: {  	[smem:$0x3FB8] =	sst s0;
	s0 =	simm.s32 @!p1 $0x0  }
0x14: {  	s2 =	sld [smem:$0x3F9C];
	s0 =	simm.s32 @p1 $0x1  }
0x15: {  	[smem:$0x3FB9] =	sst s0;
	s0 =	simm.s32 @!p2 $0x0  }
0x16: {  	s3 =	sld [smem:$0x3FDB];
	s0 =	simm.s32 @p2 $0x1  }
0x17: {  	s4 =	simm.s32 $0x1BF5;
	[smem:$0x3FBB] =	sst s0  }
0x18: {  	s0 =	sld [smem:$0x3F9E];
	_ =	swait.ge [sflag:s4], $0x0  }
0x19: {  	s7 =	sld [smem:$0x3F9F]  }
0x1a: {  	s8 =	sadd.s32 $0xFFFFE003, lr  }
0x1b: {  	s9 =	sadd.s32 $0xFFFFFEF7, lr;
	s5 =	simm.s32 $0xFFFFFFFF;
	p2 =	slt.u32 s8, $0xFFFFF086  }
0x1c: {  	p1 =	slt.u32 s9, $0xF7A;
	s5 =	simm.s32 @!p2 $0x0  }
0x1d: {  	s5 =	simm.s32 @p1 $0x1;
	p0 =	seq.s32 s7, s2  }
0x1e: {  	s7 =	smul.u32 @!p0 $0xF7A, s2;
	p2 =	seq.s32 @!p0 s5, $0x0  }
0x1f: {  	s9 =	smul.u32 $0xF7A, s1;
	s8 =	simm.s32 @!p0 $0x1BF5;
	p2 =	por !p2, p0  }
0x20: {  	[sflag:s8] =	ssyncset.s32 @!p0 $0xFFFFF086;
	s6 =	sadd.s32 @!p0 s3, s7;
	s7 =	simm.s32 @!p0 $0x108  }
0x21: {  	s3 =	sadd.s32 s3, s9;
	s6 =	sadd.s32 @!p0 $0x88, s6;
	s7 =	simm.s32 @p2 $0x1082  }
0x22: {  	[simem:s7], [sflag:s8] =	dma.local @!p0 [hbm:s6], $0xF7A  }
0x23: {  	s9 =	sor.u32 $0xD0000000, s2;
	s6 =	simm.s32 $0x108;
	_ =	swait.ge @!p0 [sflag:s8], $0x0  }
0x24: {  	s3 =	sadd.s32 $0x88, s3;
	s6 =	simm.s32 @!p1 $0x1082;
	[sflag:s4] =	ssyncset.s32 $0xFFFFF086  }
0x25: {  	[simem:s6], [sflag:s4] =	dma.local [hbm:s3], $0xF7A  }
0x26: {  	[smem:$0x3F9F] =	sst s1;
	(tag) =	ssettag s2;
	_ =	strace s9  }
0x27: {  	s1 =	sld [smem:$0x3FAF]  }
0x28: {  	s2 =	sld [smem:$0x3FB0]  }
0x29: {  	s4 =	sld [smem:$0x3FB2]  }
0x2a: {  	p0 =	seq.s32 s5, $0x0;
	s5 =	sld [smem:$0x3FB3]  }
0x2b: {  	s6 =	sld [smem:$0x3FB4]  }
0x2c: {  	s7 =	sld [smem:$0x3FB5]  }
0x2d: {  	s3 =	simm.s32 $0x108;
	s8 =	sld [smem:$0x3FB6]  }
0x2e: {  	s3 =	simm.s32 @!p0 $0x1082;
	s9 =	sld [smem:$0x3FB7]  }
0x2f: {  	lr =	sadd.s32 s0, s3;
	s0 =	sld [smem:$0x3FAE]  }
0x30: {  	s3 =	sld [smem:$0x3FB1]  }
0x31: {  	[smem:$0x3FBA] =	sst s10  }
0x32: {  	s10 =	sld [smem:$0x3FB8];
	_ =	sdelay $0x3  }
0x33: {  	p0 =	seq.s32 s10, $0x1;
	s10 =	sld [smem:$0x3FBA];
	_ =	sdelay $0x3  }
0x34: {  	[smem:$0x3FBA] =	sst s10  }
0x35: {  	s10 =	sld [smem:$0x3FB9];
	_ =	sdelay $0x3  }
0x36: {  	p1 =	seq.s32 s10, $0x1;
	s10 =	sld [smem:$0x3FBA];
	_ =	sdelay $0x3  }
0x37: {  	[smem:$0x3FBA] =	sst s10  }
0x38: {  	s10 =	sld [smem:$0x3FBB]  }
0x39: {  	_ = 	snop;
	(pc) =	sbr.ind lr, $3  }
0x3a: {  	_ = 	snop  }
0x3b: {  	_ = 	snop  }
0x3c: {  	p2 =	seq.s32 s10, $0x1;
	s10 =	sld [smem:$0x3FBA]  }
0x3d: {  	_ =	shalt  }
0x3e: {  	_ =	shalt  }
0x3f: {  	_ =	shalt  }
0x40: {  	_ =	shalt  }
0x41: {  	_ =	shalt  }
0x42: {  	_ =	shalt  }
0x43: {  	_ =	shalt  }
0x44: {  	_ =	shalt  }
0x45: {  	_ =	shalt  }
0x46: {  	_ =	shalt  }
0x47: {  	_ =	shalt  }
0x48: {  	_ =	shalt  }
0x49: {  	_ =	shalt  }
0x4a: {  	_ =	shalt  }
0x4b: {  	_ =	shalt  }
0x4c: {  	_ =	shalt  }
0x4d: {  	_ =	shalt  }
0x4e: {  	_ =	shalt  }
0x4f: {  	_ =	shalt  }
0x50: {  	_ =	shalt  }
0x51: {  	_ =	shalt  }
0x52: {  	_ =	shalt  }
0x53: {  	_ =	shalt  }
0x54: {  	_ =	shalt  }
0x55: {  	_ =	shalt  }
0x56: {  	_ =	shalt  }
0x57: {  	_ =	shalt  }
0x58: {  	_ =	shalt  }
0x59: {  	_ =	shalt  }
0x5a: {  	_ =	shalt  }
0x5b: {  	_ =	shalt  }
0x5c: {  	_ =	shalt  }
0x5d: {  	_ =	shalt  }
0x5e: {  	_ =	shalt  }
0x5f: {  	_ =	shalt  }
0x60: {  	_ =	shalt  }
0x61: {  	_ =	shalt  }
0x62: {  	_ =	shalt  }
0x63: {  	_ =	shalt  }
0x64: {  	_ =	shalt  }
0x65: {  	_ =	shalt  }
0x66: {  	_ =	shalt  }
0x67: {  	_ =	shalt  }
0x68: {  	_ =	shalt  }
0x69: {  	_ =	shalt  }
0x6a: {  	_ =	shalt  }
0x6b: {  	_ =	shalt  }
0x6c: {  	_ =	shalt  }
0x6d: {  	_ =	shalt  }
0x6e: {  	_ =	shalt  }
0x6f: {  	_ =	shalt  }
0x70: {  	_ =	shalt  }
0x71: {  	_ =	shalt  }
0x72: {  	_ =	shalt  }
0x73: {  	_ =	shalt  }
0x74: {  	_ =	shalt  }
0x75: {  	_ =	shalt  }
0x76: {  	_ =	shalt  }
0x77: {  	_ =	shalt  }
0x78: {  	_ =	shalt  }
0x79: {  	_ =	shalt  }
0x7a: {  	_ =	shalt  }
0x7b: {  	_ =	shalt  }
0x7c: {  	_ =	shalt  }
0x7d: {  	_ =	shalt  }
0x7e: {  	_ =	shalt  }
0x7f: {  	_ =	shalt  }
0x80: {  	_ =	shalt  }
0x81: {  	_ =	shalt  }
0x82: {  	_ =	shalt  }
0x83: {  	_ =	shalt  }
0x84: {  	_ =	shalt  }
0x85: {  	_ =	shalt  }
0x86: {  	_ =	shalt  }
0x87: {  	_ =	shalt  }
.Lfunc_end0:
.L_simem_size_0:
called_computation_lowered:
.L_overlay_start_0:
0x88: {  	s2 =	sld [smem:$0x3FD9]  }
0x89: {  	s3 =	sld [smem:$0x3FFE];
	_ =	sdelay $0x1  }
0x8a: {  	s1 =	srdreg.scid  }
0x8b: {  	s0 =	sand.u32 $0x1, s1  }
0x8c: {  	s17 =	sshll.u32 s0, $0xA;
	s2 =	sadd.s32 s3, s2  }
0x8d: {  	s2 =	sadd.s32 s2, s17  }
0x8e: {  	[smem:$0x3FC6] =	sst s2  }
0x8f: {  	_ = 	snop  }
0x90: {  	s2 =	sld [smem:$0x3FC9]  }
0x91: {  	s18 =	sld [smem:$0x3FD0];
	(tm) =	ssettm $0x1  }
0x92: {  	s4 =	sld [smem:$0x3FFB];
	_ =	sdelay $0x3  }
0x93: {  	_ =	strace s4  }
0x94: {  	s4 =	sld [smem:$0x3FFC];
	_ =	sdelay $0x3  }
0x95: {  	_ =	strace s4  }
0x96: {  	s4 =	sld [smem:$0x3FFD];
	_ =	sdelay $0x3  }
0x97: {  	_ =	strace s4  }
0x98: {  	_ =	strace $0x8FFFFFFF  }
0x99: {  	s19 =	sld [smem:$0x3FDB];
	_ =	sdelay $0x1  }
0x9a: {  	s5 =	simm.s32 $_scs_section_size  }
0x9b: {  	s6 =	simm.s32 $_size__tile_overlayer_lowered;
	s7 =	simm.s32 $_tile_overlayer_lowered  }
0x9c: {  	s22 =	simm.s32 $0x1BFF;
	s21 =	sshll.u32 s7, $0x1;
	s4 =	sadd.s32 s5, s19  }
0x9d: {  	s8 =	simm.s32 $0x0;
	s20 =	sshll.u32 s6, $0x1;
	s6 =	sadd.s32 s21, s4  }
0x9e: {  	[timem:s8], [sflag:s22] =	dma.local [hbm:s6], s20  }
0x9f: {  	_ =	swait.ge [sflag:s22], s20  }
0xa0: {  	s5 =	ssub.s32 $0x0, s20;
	[sflag:s22] =	ssyncset.done $0x0  }
0xa1: {  	[sflag:s22] =	ssyncadd.s32 s5;
	_ =	sdelay $0x1  }
0xa2: {  	s23 =	simm.s32 $0x1B8B  }
0xa3: {  	_ =	swait.ge [sflag:s23], $0x1  }
0xa4: {  	[sflag:s23] =	ssyncset.done $0x0  }
0xa5: {  	s25 =	simm.s32 $0x1B8E;
	s24 =	sld [smem:$0x3FFE];
	[sflag:s23] =	ssyncadd.s32 $0xFFFFFFFF  }
0xa6: {  	s26 =	simm.s32 $execute0_lowered;
	[smem:$0x3FD2] =	sst s25  }
0xa7: {  	s6 =	sshll.u32 s26, $0x1;
	_ =	strace $0x80000046;
	[dreg:$0x1] =	wrdreg $0xFFFFFFFF  }
0xa8: {  	s28 =	simm.s32 $_size_execute0_lowered;
	s4 =	sadd.s32 s4, s6;
	[dreg:$0x0] =	wrdreg $0x0  }
0xa9: {  	s6 =	sshll.u32 s28, $0x1;
	[dreg:$0x2] =	wrdreg s4  }
0xaa: {  	[dreg:$0x3] =	wrdreg s6  }
0xab: {  	[dreg:$0x4] =	wrdreg $0xC0  }
0xac: {  	_ =	task [dreg:s8], $0x5FFFF  }
0xad: {  	[dreg:$0x1] =	wrdreg $0xFFFFFFFF  }
0xae: {  	[dreg:$0x0] =	wrdreg $0x60  }
0xaf: {  	[dreg:$0x2] =	wrdreg s2  }
0xb0: {  	[dreg:$0x3] =	wrdreg s24  }
0xb1: {  	[dreg:$0x4] =	wrdreg s18  }
0xb2: {  	[dreg:$0x5] =	wrdreg $0x15D000  }
0xb3: {  	[dreg:$0x6] =	wrdreg $0x9  }
0xb4: {  	_ =	task.clear_ibuf [dreg:s8], $0x7FFFF;
	_ =	strace $0x90000046  }
0xb5: {  	s29 =	simm.s32 $0x9;
	_ =	strace $0x80000048  }
0xb6: {  	_ =	swait.ge [sflag:s29], $0x1  }
0xb7: {  	[sflag:s29] =	ssyncadd.s32 $0xFFFFFFFF  }
0xb8: {  	_ =	strace $0x90000048  }
0xb9: {  	_ =	sfence  }
0xba: {  	s30 =	sld [smem:$0x0];
	_ =	sdelay $0x2  }
0xbb: {  	s31 =	sshll.u32 s1, $0xD;
	s1 =	sshrl.u32 s1, $0x2  }
0xbc: {  	s3 =	sand.u32 $0x4000, s31;
	s1 =	sadd.s32 s1, s30  }
0xbd: {  	s0 =	sor.u32 s3, s0;
	s1 =	sshll.u32 s1, $0x11  }
0xbe: {  	s0 =	sor.u32 s1, s0  }
0xbf: {  	s0 =	sadd.s32 $0x8F2B, s0  }
0xc0: {  	[sflag:s0] =	ssyncadd.remote.s32 $0x1  }
0xc1: {  	_ =	sfence.sel $0xFFFF  }
0xc2: {  	[dreg:$0x0] =	wrdreg $0xFFFFFFFF;
	(pc) =	sbr.abs _section_cstart, $3  }
0xc3: {  	[dreg:$0x1] =	wrdreg $0xFFFFFFFF  }
0xc4: {  	_ =	task.clear_ibuf [dreg:s8], $0x2FFFF;
	_ =	strace $0x9FFFFFFF  }
0xc5: {  	(tm) =	ssettm $0x7FFFFFFF  }
tec
execute0_lowered:
.L_overlay_start_1:
0x0: {  	(tag) =	ssettag $0x1  }
0x1: {  	s2 =	rddreg [dreg:$0x0]  }
0x2: {  	s0 =	rddreg [dreg:$0x1]  }
0x3: {  	s9 =	rddreg [dreg:$0x2]  }
0x4: {  	s3 =	rddreg [dreg:$0x3];
	s1 =	stileid.u32  }
0x5: {  	s4 =	simm.s32 $0x0;
	s6 =	srdreg.scid;
	s14 =	simm.s32 $0x80  }
0x6: {  	s16 =	simm.s32 $0x4F00;
	s17 =	simm.s32 $0xBD00;
	s18 =	simm.s32 $0x4F80  }
0x7: {  	s19 =	simm.s32 $0xDD00;
	s20 =	simm.s32 $0x5000;
	s21 =	simm.s32 $0xFD00  }
0x8: {  	s22 =	simm.s32 $0x2;
	s28 =	simm.s32 $0x3;
	s5 =	smul.u32 $0x4E80, s1  }
0x9: {  	s29 =	simm.s32 $0x0;
	[smem:$0x7FF] =	sst s4;
	s25 =	smul.u32 $0x28000, s1  }
0xa: {  	s26 =	sand.u32 $0x1, s6;
	s10 =	smul.u32 $0x13880, s1;
	s23 =	sshll.u32 s1, $0x6  }
0xb: {  	s13 =	smul.u32 $0x27100, s1;
	_ =	strace $0x80000047;
	s7 =	ssub.s32 $0x2, s26  }
0xc: {  	s12 =	sshll.u32 s26, $0x6;
	v0 =	vmov s26;
	s26 =	simm.s32 $0x8;
	s5 =	sshrl.u32 s5, $0x3  }
0xd: {  	s30 =	sshrl.u32 s7, $0x1;
	s6 =	sshrl.u32 s25, $0x2;
	s10 =	sor.u32 s12, s10  }
0xe: {  	s31 =	sshrl.u32 s13, $0x2;
	s12 =	simm.s32 $0x4E80;
	s13 =	simm.s32 $0x1  }
0xf: {  	s25 =	simm.s32 $0x10;
	s8 =	sadd.s32 s5, s0;
	s5 =	sadd.s32 $0x13E00, s0  }
0x10: {  	s0 =	ssub.s32 s7, s30;
	s11 =	sadd.s32 s6, s3;
	s6 =	sor.u32 $0x1C01, s23  }
0x11: {  	s10 =	sshrl.u32 s10, $0x3;
	s24 =	sadd.s32 s31, s3;
	s23 =	sor.u32 $0x1C03, s23  }
0x12: {  	s7 =	sadd.s32 $0x400, s8;
	s8 =	sadd.s32 $0xA100, s8;
	s9 =	sadd.s32 s9, s10  }
0x13: {  	s10 =	smax.u32 s0, $0x1;
	s11 =	sshrl.u32 s11, $0x3;
	s24 =	sshrl.u32 s24, $0x3  }
.LBB2_1:
0x14: {  	[spmem:s11], [sflag:s6] =	dma.local [hbm:s5], $0x1400  }
0x15: {  	[tilespmem:s4], [sflag:$0x1] =	stream.linear.gather [hbm4b:s7+s4], $0x4E80, $0x38;
	[tilespmem:$0x1FD00] =	vst v63  }
0x16: {  	_ = 	snop  }
0x17: {  	[tilespmem:s12], [sflag:$0x1] =	stream.linear.gather [hbm4b:s8+s4], $0x4E80, $0x38;
	[tilespmem:$0x1FD00] =	vst v63  }
0x18: {  	_ =	swait.ge [sflag:s13], $0x1400  }
0x19: {  	[sflag:s13] =	ssyncset.done $0x0  }
0x1a: {  	[sflag:s13] =	ssyncadd.s32 $0xFFFFEC00  }
0x1b: {  	_ =	swait.ge [sflag:s13], $0x4E80  }
0x1c: {  	[sflag:s13] =	ssyncset.done $0x0  }
0x1d: {  	[sflag:s13] =	ssyncadd.s32 $0xFFFFB180  }
0x1e: {  	_ =	swait.ge [sflag:s13], $0x4E80  }
0x1f: {  	[sflag:s13] =	ssyncset.done $0x0  }
0x20: {  	[sflag:s13] =	ssyncadd.s32 $0xFFFFB180  }
0x21: {  	[bflag:$0x0] =	sbarrier.arrive $0xFFFF  }
0x22: {  	v1 =	vld [tilespmem:$0x4E80]  }
0x23: {  	v2 =	vld [tilespmem:$0x4E90]  }
0x24: {  	v3 =	vld [tilespmem:$0x4EA0]  }
0x25: {  	v4 =	vld [tilespmem:$0x4EB0]  }
0x26: {  	v5 =	vld [tilespmem:$0x4EC0]  }
0x27: {  	v6 =	vld [tilespmem:$0x4ED0];
	v1 =	vshll.u32 v1, $0x1  }
0x28: {  	v7 =	vld [tilespmem:$0x4EE0];
	v2 =	vshll.u32 v2, $0x1;
	v1 =	vor.u32 v0, v1  }
0x29: {  	[tilespmem:$0x4E80] =	vst v1;
	v1 =	vor.u32 v0, v2;
	v2 =	vshll.u32 v3, $0x1;
	v3 =	vld [tilespmem:$0x4EF0]  }
0x2a: {  	[tilespmem:$0x4E90] =	vst v1;
	v1 =	vor.u32 v0, v2;
	v2 =	vshll.u32 v4, $0x1  }
0x2b: {  	[tilespmem:$0x4EA0] =	vst v1;
	v1 =	vor.u32 v0, v2;
	v2 =	vshll.u32 v5, $0x1  }
0x2c: {  	[tilespmem:$0x4EB0] =	vst v1;
	v1 =	vor.u32 v0, v2;
	v2 =	vshll.u32 v6, $0x1  }
0x2d: {  	[tilespmem:$0x4EC0] =	vst v1;
	v1 =	vor.u32 v0, v2;
	v2 =	vshll.u32 v7, $0x1  }
0x2e: {  	[tilespmem:$0x4ED0] =	vst v1;
	v1 =	vor.u32 v0, v2;
	v2 =	vshll.u32 v3, $0x1  }
0x2f: {  	[tilespmem:$0x4EE0] =	vst v1;
	v1 =	vor.u32 v0, v2  }
0x30: {  	s0 =	simm.s32 $0x9D00;
	[tilespmem:$0x4EF0] =	vst v1  }
0x31: {  	[tilespmem:s0], [sflag:$0x1] =	stream.indirect.gather [hbm4b:s2+s14], $0x40, s12, s14, $0xb8;
	[tilespmem:$0x1FD00] =	vst v63  }
0x32: {  	v1 =	vld [tilespmem:$0x4F00]  }
0x33: {  	v2 =	vld [tilespmem:$0x4F10]  }
0x34: {  	v3 =	vld [tilespmem:$0x4F20]  }
0x35: {  	v52 =	vld [tilespmem:$0x4F30]  }
0x36: {  	v53 =	vld [tilespmem:$0x4F40]  }
0x37: {  	v54 =	vld [tilespmem:$0x4F50];
	v1 =	vshll.u32 v1, $0x1  }
0x38: {  	v55 =	vld [tilespmem:$0x4F60];
	v2 =	vshll.u32 v2, $0x1;
	v1 =	vor.u32 v0, v1  }
0x39: {  	[tilespmem:$0x4F00] =	vst v1;
	v1 =	vor.u32 v0, v2;
	v2 =	vshll.u32 v3, $0x1;
	v3 =	vld [tilespmem:$0x4F70]  }
0x3a: {  	[tilespmem:$0x4F10] =	vst v1;
	v1 =	vor.u32 v0, v2;
	v2 =	vshll.u32 v52, $0x1  }
0x3b: {  	[tilespmem:$0x4F20] =	vst v1;
	v1 =	vor.u32 v0, v2;
	v2 =	vshll.u32 v53, $0x1  }
0x3c: {  	[tilespmem:$0x4F30] =	vst v1;
	v1 =	vor.u32 v0, v2;
	v2 =	vshll.u32 v54, $0x1  }
0x3d: {  	[tilespmem:$0x4F40] =	vst v1;
	v1 =	vor.u32 v0, v2;
	v2 =	vshll.u32 v55, $0x1  }
0x3e: {  	[tilespmem:$0x4F50] =	vst v1;
	v1 =	vor.u32 v0, v2;
	v2 =	vshll.u32 v3, $0x1  }
0x3f: {  	[tilespmem:$0x4F60] =	vst v1;
	v1 =	vor.u32 v0, v2  }
0x40: {  	[tilespmem:$0x4F70] =	vst v1  }
0x41: {  	[tilespmem:s17], [sflag:$0x1] =	stream.indirect.gather [hbm4b:s2+s14], $0x40, s16, s14, $0xb8;
	[tilespmem:$0x1FD00] =	vst v63  }
0x42: {  	v1 =	vld [tilespmem:$0x4F80]  }
0x43: {  	v2 =	vld [tilespmem:$0x4F90]  }
0x44: {  	v3 =	vld [tilespmem:$0x4FA0]  }
0x45: {  	v56 =	vld [tilespmem:$0x4FB0]  }
0x46: {  	v57 =	vld [tilespmem:$0x4FC0]  }
0x47: {  	v58 =	vld [tilespmem:$0x4FD0];
	v1 =	vshll.u32 v1, $0x1  }
0x48: {  	v59 =	vld [tilespmem:$0x4FE0];
	v2 =	vshll.u32 v2, $0x1;
	v1 =	vor.u32 v0, v1  }
0x49: {  	[tilespmem:$0x4F80] =	vst v1;
	v1 =	vor.u32 v0, v2;
	v2 =	vshll.u32 v3, $0x1;
	v3 =	vld [tilespmem:$0x4FF0]  }
0x4a: {  	[tilespmem:$0x4F90] =	vst v1;
	v1 =	vor.u32 v0, v2;
	v2 =	vshll.u32 v56, $0x1  }
0x4b: {  	[tilespmem:$0x4FA0] =	vst v1;
	v1 =	vor.u32 v0, v2;
	v2 =	vshll.u32 v57, $0x1  }
0x4c: {  	[tilespmem:$0x4FB0] =	vst v1;
	v1 =	vor.u32 v0, v2;
	v2 =	vshll.u32 v58, $0x1  }
0x4d: {  	[tilespmem:$0x4FC0] =	vst v1;
	v1 =	vor.u32 v0, v2;
	v2 =	vshll.u32 v59, $0x1  }
0x4e: {  	[tilespmem:$0x4FD0] =	vst v1;
	v1 =	vor.u32 v0, v2;
	v2 =	vshll.u32 v3, $0x1  }
0x4f: {  	[tilespmem:$0x4FE0] =	vst v1;
	v1 =	vor.u32 v0, v2  }
0x50: {  	[tilespmem:$0x4FF0] =	vst v1  }
0x51: {  	[tilespmem:s19], [sflag:$0x1] =	stream.indirect.gather [hbm4b:s2+s14], $0x40, s18, s14, $0xb8;
	[tilespmem:$0x1FD00] =	vst v63  }
0x52: {  	v1 =	vld [tilespmem:$0x5000]  }
0x53: {  	v2 =	vld [tilespmem:$0x5010]  }
0x54: {  	v3 =	vld [tilespmem:$0x5020]  }
0x55: {  	v60 =	vld [tilespmem:$0x5030]  }
0x56: {  	v61 =	vld [tilespmem:$0x5040]  }
0x57: {  	v62 =	vld [tilespmem:$0x5050];
	v1 =	vshll.u32 v1, $0x1  }
0x58: {  	v63 =	vld [tilespmem:$0x5060];
	v2 =	vshll.u32 v2, $0x1;
	v1 =	vor.u32 v0, v1  }
0x59: {  	[tilespmem:$0x5000] =	vst v1;
	v1 =	vor.u32 v0, v2;
	v2 =	vshll.u32 v3, $0x1;
	v3 =	vld [tilespmem:$0x5070]  }
0x5a: {  	[tilespmem:$0x5010] =	vst v1;
	v1 =	vor.u32 v0, v2;
	v2 =	vshll.u32 v60, $0x1  }
0x5b: {  	[tilespmem:$0x5020] =	vst v1;
	v1 =	vor.u32 v0, v2;
	v2 =	vshll.u32 v61, $0x1  }
0x5c: {  	[tilespmem:$0x5030] =	vst v1;
	v1 =	vor.u32 v0, v2;
	v2 =	vshll.u32 v62, $0x1  }
0x5d: {  	[tilespmem:$0x5040] =	vst v1;
	v1 =	vor.u32 v0, v2;
	v2 =	vshll.u32 v63, $0x1  }
0x5e: {  	[tilespmem:$0x5050] =	vst v1;
	v1 =	vor.u32 v0, v2;
	v2 =	vshll.u32 v3, $0x1  }
0x5f: {  	[tilespmem:$0x5060] =	vst v1;
	v1 =	vor.u32 v0, v2  }
0x60: {  	s30 =	simm.s32 $0x5080;
	s31 =	simm.s32 $0x4;
	s0 =	simm.s32 $0x0;
	[tilespmem:$0x5070] =	vst v1  }
0x61: {  	[tilespmem:s21], [sflag:$0x1] =	stream.indirect.gather [hbm4b:s2+s14], $0x40, s20, s14, $0xb8;
	[tilespmem:$0x1FD00] =	vst v63  }
.LBB2_2:
0x62: {  	s1 =	sadd.s32 $0xFFFFFFFC, s31  }
0x63: {  	p0 =	sgt.u32 s1, $0x98  }
0x64: {  	v1 =	vld @!p0 [tilespmem:s30+$0x0];
	_ =	sdelay $0x4  }
0x65: {  	v1 =	vshll.u32 @!p0 v1, $0x1  }
0x66: {  	v1 =	vor.u32 @!p0 v0, v1  }
0x67: {  	[tilespmem:s30+$0x0] =	vst @!p0 v1;
	v1 =	vld @!p0 [tilespmem:s30+$0x10];
	_ =	sdelay $0x4  }
0x68: {  	v1 =	vshll.u32 @!p0 v1, $0x1  }
0x69: {  	v1 =	vor.u32 @!p0 v0, v1  }
0x6a: {  	[tilespmem:s30+$0x10] =	vst @!p0 v1;
	v1 =	vld @!p0 [tilespmem:s30+$0x20];
	_ =	sdelay $0x4  }
0x6b: {  	v1 =	vshll.u32 @!p0 v1, $0x1  }
0x6c: {  	v1 =	vor.u32 @!p0 v0, v1  }
0x6d: {  	[tilespmem:s30+$0x20] =	vst @!p0 v1;
	v1 =	vld @!p0 [tilespmem:s30+$0x30];
	_ =	sdelay $0x4  }
0x6e: {  	v1 =	vshll.u32 @!p0 v1, $0x1  }
0x6f: {  	v1 =	vor.u32 @!p0 v0, v1  }
0x70: {  	[tilespmem:s30+$0x30] =	vst @!p0 v1;
	v1 =	vld @!p0 [tilespmem:s30+$0x40];
	_ =	sdelay $0x4  }
0x71: {  	v1 =	vshll.u32 @!p0 v1, $0x1  }
0x72: {  	v1 =	vor.u32 @!p0 v0, v1  }
0x73: {  	[tilespmem:s30+$0x40] =	vst @!p0 v1;
	v1 =	vld @!p0 [tilespmem:s30+$0x50];
	_ =	sdelay $0x4  }
0x74: {  	v1 =	vshll.u32 @!p0 v1, $0x1  }
0x75: {  	v1 =	vor.u32 @!p0 v0, v1  }
0x76: {  	[tilespmem:s30+$0x50] =	vst @!p0 v1;
	v1 =	vld @!p0 [tilespmem:s30+$0x60];
	_ =	sdelay $0x4  }
0x77: {  	v1 =	vshll.u32 @!p0 v1, $0x1  }
0x78: {  	v1 =	vor.u32 @!p0 v0, v1  }
0x79: {  	[tilespmem:s30+$0x60] =	vst @!p0 v1;
	v1 =	vld @!p0 [tilespmem:s30+$0x70]  }
0x7a: {  	s15 =	smul.u32 $0xAB, s1;
	_ =	sdelay $0x1  }
0x7b: {  	s15 =	sshrl.u32 s15, $0xA  }
0x7c: {  	s15 =	sand.u32 $0x3F, s15  }
0x7d: {  	s15 =	smul.u32 $0x6, s15;
	v1 =	vshll.u32 @!p0 v1, $0x1  }
0x7e: {  	v1 =	vor.u32 @!p0 v0, v1  }
0x7f: {  	s15 =	ssub.s32 s1, s15;
	[tilespmem:s30+$0x70] =	vst @!p0 v1;
	p0 =	slt.u32 s1, $0x2  }
0x80: {  	s15 =	sand.u32 $0xFF, s15;
	_ =	swait.ge [sflag:s13], $0x2000;
	p1 =	sgt.u32 @!p0 s1, $0x98  }
0x81: {  	s15 =	sshll.u32 s15, $0xD;
	[sflag:s13] =	ssyncset.done $0x0;
	p1 =	por p0, !p1  }
0x82: {  	s15 =	sadd.s32 $0x9D00, s15;
	[sflag:s13] =	ssyncadd.s32 $0xFFFFE000;
	s1 =	smul.u32 @p1 $0xAB, s31  }
0x83: {  	[spmem:s3] =	stream.indirect.scatter.add.f32 [tilespmem:s15], [sflag:$0x2], $0x40, s0, s14, $0xb8;
	[tilespmem:$0x1FD00] =	vst v63  }
0x84: {  	s1 =	sshrl.u32 @p1 s1, $0xA  }
0x85: {  	s1 =	sand.u32 @p1 $0x3F, s1  }
0x86: {  	s15 =	simm.s32 @!p0 $0x2;
	s1 =	smul.u32 @p1 $0x6, s1  }
0x87: {  	_ =	swait.ge @!p0 [sflag:s15], $0x2000  }
0x88: {  	[sflag:s15] =	ssyncset.done @!p0 $0x0;
	s1 =	ssub.s32 @p1 s31, s1;
	s31 =	sadd.s32 $0x1, s31  }
0x89: {  	[sflag:s15] =	ssyncadd.s32 @!p0 $0xFFFFE000;
	p0 =	sne.s32 s31, $0xA1  }
.Ltmp0:
0x8a: {  	s1 =	sand.u32 @p1 $0xFF, s1;
	(pc) =	sbr.rel @p0 .LBB2_2-.Ltmp0, $4  }
0x8b: {  	s1 =	sshll.u32 @p1 s1, $0xD  }
0x8c: {  	s1 =	sadd.s32 @p1 $0x9D00, s1  }
0x8d: {  	[tilespmem:s1], [sflag:$0x1] =	stream.indirect.gather @p1 [hbm4b:s2+s14], $0x40, s30, s14, $0xb8;
	[tilespmem:$0x1FD00] =	vst v63  }
0x8e: {  	s0 =	sadd.s32 $0x80, s0;
	s30 =	sadd.s32 $0x80, s30  }
0x8f: {  	_ =	swait.ge [sflag:s22], $0x2000  }
0x90: {  	[sflag:s22] =	ssyncset.done $0x0  }
0x91: {  	[sflag:s22] =	ssyncadd.s32 $0xFFFFE000  }
0x92: {  	_ =	swait.ge [sflag:s22], $0x2000  }
0x93: {  	s29 =	sadd.s32 $0x1, s29;
	[sflag:s22] =	ssyncset.done $0x0  }
0x94: {  	p0 =	sne.s32 s29, s10;
	[sflag:s22] =	ssyncadd.s32 $0xFFFFE000  }
.Ltmp1:
0x95: {  	[bflag:$0x0] =	sbarrier.arrive $0xFFFF;
	(pc) =	sbr.rel @p0 .LBB2_1-.Ltmp1, $4  }
0x96: {  	[hbm:s9@s25], [sflag:s23] =	dma.strided [spmem:s24@s26], $0x1388, s13, $0x8   }
0x97: {  	_ =	swait.ge [sflag:s28], $0x1388  }
0x98: {  	[sflag:s28] =	ssyncset.done $0x0  }
0x99: {  	[sflag:s28] =	ssyncadd.s32 $0xFFFFEC78  }
0x9a: {  	_ =	sfence.sel $0x180000  }
0x9b: {  	[bflag:$0x0] =	sbarrier.arrive $0xFFFF  }
0x9c: {  	_ =	strace $0x90000047  }
0x9d: {  	s0 =	stileid.u32;
	[bflag:$0x2] =	sbarrier.arrive $0xFFFF  }
0x9e: {  	p0 =	sne.s32 s0, $0x0;
	s0 =	rddreg [dreg:$0x4]  }
0x9f: {  	s0 =	sadd.s32 @!p0 $0x100000, s0  }
0xa0: {  	[sflag:s0] =	ssyncadd.tile.s32 @!p0 $0x1;
	_ =	shalt  }
.Lfunc_end2:
_tile_overlayer_lowered:
.L_overlay_start_2:
0xa1: {  	(tag) =	ssettag $0x2  }
0xa2: {  	s0 =	rddreg [dreg:$0x0];
	s2 =	stileid.u32  }
0xa3: {  	s1 =	rddreg [dreg:$0x1];
	p0 =	sne.s32 s2, $0x0  }
0xa4: {  	s3 =	rddreg [dreg:$0x2];
	[bflag:$0x3] =	sbarrier.arrive $0xFFFF;
	s2 =	simm.s32 @!p0 $0x1C03  }
0xa5: {  	[timem:s3], [sflag:s2] =	dma.local @!p0 [hbm:s0], s1  }
0xa6: {  	s0 =	simm.s32 @!p0 $0x3  }
0xa7: {  	_ =	swait.ge @!p0 [sflag:s0], s1  }
0xa8: {  	s1 =	ssub.s32 @!p0 $0x0, s1;
	[sflag:s0] =	ssyncset.done @!p0 $0x0  }
0xa9: {  	[sflag:s0] =	ssyncadd.s32 @!p0 s1  }
0xaa: {  	[bflag:$0x3] =	sbarrier.arrive $0xFFFF  }
0xab: {  	_ =	shalt  }

</sc_bundles>
